<compile_context>
chip_gen: v7x
topology: tpu7x:2x2x1
jax: 0.10.2.dev20260603
libtpu: 0.0.44.dev20260713+nightly
codegen_flags: <defaults>
</compile_context>

<pallas_src>
import functools

import numpy as _np

import jax
import jax.numpy as jnp
from jax import lax
from jax.experimental import pallas as pl
from jax.experimental.pallas import tpu as pltpu
from jax.experimental.pallas import tpu_sc as plsc

_D = 64
_CP = 129
_NC = 2
_NS = 16
_NW = _NC * _NS
_CB = 128
_HB = 50
_JB = 16384 // _CB
_NBLK = _HB * _JB
_BPW = _NBLK // _NW
_NB = 8
_GL = 4
_IL = 5


def _body(table_hbm, idx_hbm, out_hbm, ivs, rows, outt0, outt1,
          isems, gsems, osem0, osem1):
    c = lax.axis_index("c")
    s = lax.axis_index("s")
    wid = s * _NC + c
    t0 = wid * _BPW
    outts = (outt0, outt1)
    osems = (osem0, osem1)

    def hj(t):
        flat = t0 + t
        return (lax.shift_right_logical(flat, 7),
                lax.bitwise_and(flat, _JB - 1))

    def issue_idx(t):
        b = lax.rem(t, _NB)
        h, j = hj(t)
        pltpu.async_copy(idx_hbm.at[h, j], ivs.at[b], isems.at[b])

    def wait_idx(t):
        b = lax.rem(t, _NB)
        h, j = hj(t)
        pltpu.make_async_copy(idx_hbm.at[h, j], ivs.at[b], isems.at[b]).wait()

    def issue_gather(t):
        b = lax.rem(t, _NB)
        pltpu.async_copy(table_hbm.at[ivs.at[b]],
                         rows.at[pl.ds(b * _CB, _CB)], gsems.at[b])

    def wait_gather(t):
        b = lax.rem(t, _NB)
        pltpu.make_async_copy(table_hbm.at[ivs.at[b]],
                              rows.at[pl.ds(b * _CB, _CB)],
                              gsems.at[b]).wait()

    def _dst(t):
        h, j = hj(t)
        return out_hbm.at[h, pl.ds(0, 8), pl.ds(j, 1), pl.ds(0, 8),
                          pl.ds(0, _CB)]

    def issue_store(t, parity):
        src = outts[parity].at[pl.ds(0, 8), pl.ds(0, 1), pl.ds(0, 8),
                               pl.ds(0, _CB)]
        pltpu.async_copy(src, _dst(t), osems[parity])

    def wait_store(t, parity):
        src = outts[parity].at[pl.ds(0, 8), pl.ds(0, 1), pl.ds(0, 8),
                               pl.ds(0, _CB)]
        pltpu.make_async_copy(src, _dst(t), osems[parity]).wait()

    lanes = lax.broadcasted_iota(jnp.int32, (16,), 0)
    zero16 = jnp.zeros((16,), jnp.int32)
    iv_i = [lax.shift_right_logical(lanes + 16 * g, 3) for g in range(4)]
    iv_r = [lax.bitwise_and(lanes + 16 * g, 7) for g in range(4)]

    for k in range(_IL):
        issue_idx(k)
    for k in range(_GL):
        wait_idx(k)
        issue_gather(k)

    def step(t2, carry):
        for parity in range(2):
            t = 2 * t2 + parity
            b = lax.rem(t, _NB)
            rb = b * _CB

            wait_gather(t)

            @pl.when(t2 >= 1)
            def _():
                wait_store(t - 2, parity)

            ot = outts[parity]

            @plsc.parallel_loop(0, _CB, 1, unroll=8)
            def _(r):
                cv = jnp.zeros((16,), jnp.int32) + r
                for g in range(4):
                    v = rows[rb + r, pl.ds(16 * g, 16)]
                    plsc.store_scatter(ot, [iv_i[g], zero16, iv_r[g], cv], v)

            issue_store(t, parity)

            @pl.when(t + _GL < _BPW)
            def _():
                wait_idx(t + _GL)
                issue_gather(t + _GL)

            @pl.when(t + _IL < _BPW)
            def _():
                issue_idx(t + _IL)

        return carry

    lax.fori_loop(0, _BPW // 2, step, 0)

    wait_store(_BPW - 2, 0)
    wait_store(_BPW - 1, 1)


def _make_kernel():
    mesh = plsc.VectorSubcoreMesh(
        core_axis_name="c", subcore_axis_name="s",
        num_cores=_NC, num_subcores=_NS)
    return pl.kernel(
        _body,
        out_type=jax.ShapeDtypeStruct((_HB, 8, _JB, 8, _CB), jnp.float32),
        mesh=mesh,
        scratch_types=[
            pltpu.VMEM((_NB, _CB), jnp.int32),
            pltpu.VMEM((_NB * _CB, _D), jnp.float32),
            pltpu.VMEM((8, 1, 8, _CP), jnp.float32),
            pltpu.VMEM((8, 1, 8, _CP), jnp.float32),
            pltpu.SemaphoreType.DMA((_NB,)),
            pltpu.SemaphoreType.DMA((_NB,)),
            pltpu.SemaphoreType.DMA,
            pltpu.SemaphoreType.DMA,
        ],
        compiler_params=pltpu.CompilerParams(use_tc_tiling_on_sc=False,
                                             needs_layout_passes=False),
    )


@jax.jit
def kernel(inputs, embedding):
    b, h = inputs.shape
    idx3 = inputs.T.reshape(_HB, _JB, _CB).astype(jnp.int32)
    out5 = _make_kernel()(embedding, idx3)
    return out5.transpose(2, 4, 0, 1, 3).reshape(b, h, _D)

# --- scband reference (transcript-rebuilt; emitter-appended) ---
"""Pipeline reference for scband-embedding-lookup-32950989095096 (READ-ONLY COPY).

The authoritative reference and input builder live on the scoring server;
editing this copy changes nothing except your own understanding.
"""

import jax, jax.numpy as jnp
import numpy as np

VOCAB = 1000000
EMBED_DIM = 64
BATCH = 16384
HIST = 50

def setup_inputs(seed: int = 0) -> dict:
    key = jax.random.key(seed)
    k_idx, k_emb = jax.random.split(key)
    inputs = jax.random.randint(k_idx, (BATCH, HIST), 0, VOCAB, dtype=jnp.int64 if jax.config.jax_enable_x64 else jnp.int32)
    embedding = jax.random.normal(k_emb, (VOCAB, EMBED_DIM), dtype=jnp.float32)
    return {"inputs": inputs, "embedding": embedding}

def reference(inputs, embedding):
    # tf.nn.embedding_lookup(params=embedding, ids=inputs)
    return jnp.take(embedding, inputs, axis=0)

if __name__ == "__main__":
    import jax
    _d = setup_inputs()
    print(jax.jit(kernel)(*tuple(_d.values())))

</pallas_src>

<mosaic_0001>
#map = affine_map<(d0, d1) -> (0, 0)>
#map1 = affine_map<(d0, d1) -> (0, 0, 0)>
#map2 = affine_map<(d0, d1) -> (0, 0, 0, 0, 0)>
module attributes {stable_mosaic.version = 14 : i64} {
  func.func @_body(%arg0: i32, %arg1: i32, %arg2: memref<1000000x64xf32, #tpu.memory_space<hbm>>, %arg3: memref<50x128x128xi32, #tpu.memory_space<hbm>>, %arg4: memref<50x8x128x8x128xf32, #tpu.memory_space<hbm>>, %arg5: memref<8x128xi32, #tpu.memory_space<vmem>>, %arg6: memref<1024x64xf32, #tpu.memory_space<vmem>>, %arg7: memref<8x1x8x129xf32, #tpu.memory_space<vmem>>, %arg8: memref<8x1x8x129xf32, #tpu.memory_space<vmem>>, %arg9: memref<8x!tpu.dma_semaphore, #tpu.memory_space<semaphore_mem>>, %arg10: memref<8x!tpu.dma_semaphore, #tpu.memory_space<semaphore_mem>>, %arg11: memref<!tpu.dma_semaphore, #tpu.memory_space<semaphore_mem>>, %arg12: memref<!tpu.dma_semaphore, #tpu.memory_space<semaphore_mem>>) attributes {dimension_semantics = [#tpu.dimension_semantics<core_parallel>, #tpu.dimension_semantics<subcore_parallel>], iteration_bounds = array<i64: 2, 16>, scalar_prefetch = 0 : i64, scratch_operands = 8 : i64, tpu.core_type = #tpu.core_type<sc_vector_subcore>, window_params = [{transform_indices = #map}, {transform_indices = #map1}, {transform_indices = #map2}]} {
    %mul3A = arith.constant 2 : i32
    %mul3A_0 = arith.muli %arg1, %mul3A : i32
    %add3A = arith.addi %mul3A_0, %arg0 : i32
    %mul3A_1 = arith.constant 200 : i32
    %mul3A_2 = arith.muli %add3A, %mul3A_1 : i32
    %iota3A = tpu.iota {dimensions = array<i32: 0>} : vector<16xi32>
    %broadcast_in_dim3A = arith.constant 0 : i32
    %broadcast_in_dim3A_3 = vector.broadcast %broadcast_in_dim3A : i32 to vector<16xi32>
    %add3A_4 = arith.constant 0 : i32
    %add3A_5 = vector.broadcast %add3A_4 : i32 to vector<16xi32>
    %add3A_6 = arith.addi %iota3A, %add3A_5 : vector<16xi32>
    %shift_right_logical3A = arith.constant 3 : i32
    %shift_right_logical3A_7 = vector.broadcast %shift_right_logical3A : i32 to vector<16xi32>
    %shift_right_logical3A_8 = arith.shrui %add3A_6, %shift_right_logical3A_7 : vector<16xi32>
    %add3A_9 = arith.constant 16 : i32
    %add3A_10 = vector.broadcast %add3A_9 : i32 to vector<16xi32>
    %add3A_11 = arith.addi %iota3A, %add3A_10 : vector<16xi32>
    %shift_right_logical3A_12 = arith.constant 3 : i32
    %shift_right_logical3A_13 = vector.broadcast %shift_right_logical3A_12 : i32 to vector<16xi32>
    %shift_right_logical3A_14 = arith.shrui %add3A_11, %shift_right_logical3A_13 : vector<16xi32>
    %add3A_15 = arith.constant 32 : i32
    %add3A_16 = vector.broadcast %add3A_15 : i32 to vector<16xi32>
    %add3A_17 = arith.addi %iota3A, %add3A_16 : vector<16xi32>
    %shift_right_logical3A_18 = arith.constant 3 : i32
    %shift_right_logical3A_19 = vector.broadcast %shift_right_logical3A_18 : i32 to vector<16xi32>
    %shift_right_logical3A_20 = arith.shrui %add3A_17, %shift_right_logical3A_19 : vector<16xi32>
    %add3A_21 = arith.constant 48 : i32
    %add3A_22 = vector.broadcast %add3A_21 : i32 to vector<16xi32>
    %add3A_23 = arith.addi %iota3A, %add3A_22 : vector<16xi32>
    %shift_right_logical3A_24 = arith.constant 3 : i32
    %shift_right_logical3A_25 = vector.broadcast %shift_right_logical3A_24 : i32 to vector<16xi32>
    %shift_right_logical3A_26 = arith.shrui %add3A_23, %shift_right_logical3A_25 : vector<16xi32>
    %add3A_27 = arith.constant 0 : i32
    %add3A_28 = vector.broadcast %add3A_27 : i32 to vector<16xi32>
    %add3A_29 = arith.addi %iota3A, %add3A_28 : vector<16xi32>
    %and3A = arith.constant 7 : i32
    %and3A_30 = vector.broadcast %and3A : i32 to vector<16xi32>
    %and3A_31 = arith.andi %add3A_29, %and3A_30 : vector<16xi32>
    %add3A_32 = arith.constant 16 : i32
    %add3A_33 = vector.broadcast %add3A_32 : i32 to vector<16xi32>
    %add3A_34 = arith.addi %iota3A, %add3A_33 : vector<16xi32>
    %and3A_35 = arith.constant 7 : i32
    %and3A_36 = vector.broadcast %and3A_35 : i32 to vector<16xi32>
    %and3A_37 = arith.andi %add3A_34, %and3A_36 : vector<16xi32>
    %add3A_38 = arith.constant 32 : i32
    %add3A_39 = vector.broadcast %add3A_38 : i32 to vector<16xi32>
    %add3A_40 = arith.addi %iota3A, %add3A_39 : vector<16xi32>
    %and3A_41 = arith.constant 7 : i32
    %and3A_42 = vector.broadcast %and3A_41 : i32 to vector<16xi32>
    %and3A_43 = arith.andi %add3A_40, %and3A_42 : vector<16xi32>
    %add3A_44 = arith.constant 48 : i32
    %add3A_45 = vector.broadcast %add3A_44 : i32 to vector<16xi32>
    %add3A_46 = arith.addi %iota3A, %add3A_45 : vector<16xi32>
    %and3A_47 = arith.constant 7 : i32
    %and3A_48 = vector.broadcast %and3A_47 : i32 to vector<16xi32>
    %and3A_49 = arith.andi %add3A_46, %and3A_48 : vector<16xi32>
    %rem3A = arith.constant 0 : i32
    %rem3A_50 = arith.constant 8 : i32
    %rem3A_51 = arith.remsi %rem3A, %rem3A_50 : i32
    %add3A_52 = arith.constant 0 : i32
    %add3A_53 = arith.addi %mul3A_2, %add3A_52 : i32
    %shift_right_logical3A_54 = arith.constant 7 : i32
    %shift_right_logical3A_55 = arith.shrui %add3A_53, %shift_right_logical3A_54 : i32
    %and3A_56 = arith.constant 127 : i32
    %and3A_57 = arith.andi %add3A_53, %and3A_56 : i32
    %dma_start3A = arith.constant 0 : i32
    %dma_start3A_58 = tpu.memref_slice %arg5[%rem3A_51, %dma_start3A] : memref<8x128xi32, #tpu.memory_space<vmem>> -> memref<1x128xi32, #tpu.memory_space<vmem>>
    %dma_start3A_59 = tpu.memref_squeeze %dma_start3A_58 : memref<1x128xi32, #tpu.memory_space<vmem>> -> memref<128xi32, #tpu.memory_space<vmem>>
    %dma_start3A_60 = arith.constant 0 : i32
    %dma_start3A_61 = tpu.memref_slice %arg3[%shift_right_logical3A_55, %and3A_57, %dma_start3A_60] : memref<50x128x128xi32, #tpu.memory_space<hbm>> -> memref<1x1x128xi32, #tpu.memory_space<hbm>>
    %dma_start3A_62 = tpu.memref_squeeze %dma_start3A_61 : memref<1x1x128xi32, #tpu.memory_space<hbm>> -> memref<128xi32, #tpu.memory_space<hbm>>
    %dma_start3A_63 = tpu.memref_slice %arg9[%rem3A_51] : memref<8x!tpu.dma_semaphore, #tpu.memory_space<semaphore_mem>> -> memref<1x!tpu.dma_semaphore, #tpu.memory_space<semaphore_mem>>
    %dma_start3A_64 = tpu.memref_squeeze %dma_start3A_63 : memref<1x!tpu.dma_semaphore, #tpu.memory_space<semaphore_mem>> -> memref<!tpu.dma_semaphore, #tpu.memory_space<semaphore_mem>>
    %dma_start3A_65 = arith.constant 0 : i32
    %dma_start3A_66 = tpu.memref_slice %arg5[%rem3A_51, %dma_start3A_65] : memref<8x128xi32, #tpu.memory_space<vmem>> -> memref<1x128xi32, #tpu.memory_space<vmem>>
    %dma_start3A_67 = tpu.memref_squeeze %dma_start3A_66 : memref<1x128xi32, #tpu.memory_space<vmem>> -> memref<128xi32, #tpu.memory_space<vmem>>
    %dma_start3A_68 = arith.constant 0 : i32
    %dma_start3A_69 = tpu.memref_slice %arg3[%shift_right_logical3A_55, %and3A_57, %dma_start3A_68] : memref<50x128x128xi32, #tpu.memory_space<hbm>> -> memref<1x1x128xi32, #tpu.memory_space<hbm>>
    %dma_start3A_70 = tpu.memref_squeeze %dma_start3A_69 : memref<1x1x128xi32, #tpu.memory_space<hbm>> -> memref<128xi32, #tpu.memory_space<hbm>>
    tpu.enqueue_dma source(%dma_start3A_70 : memref<128xi32, #tpu.memory_space<hbm>>) target(%dma_start3A_67 : memref<128xi32, #tpu.memory_space<vmem>>) target_semaphore(%dma_start3A_64 : memref<!tpu.dma_semaphore, #tpu.memory_space<semaphore_mem>>)
    %rem3A_71 = arith.constant 1 : i32
    %rem3A_72 = arith.constant 8 : i32
    %rem3A_73 = arith.remsi %rem3A_71, %rem3A_72 : i32
    %add3A_74 = arith.constant 1 : i32
    %add3A_75 = arith.addi %mul3A_2, %add3A_74 : i32
    %shift_right_logical3A_76 = arith.constant 7 : i32
    %shift_right_logical3A_77 = arith.shrui %add3A_75, %shift_right_logical3A_76 : i32
    %and3A_78 = arith.constant 127 : i32
    %and3A_79 = arith.andi %add3A_75, %and3A_78 : i32
    %dma_start3A_80 = arith.constant 0 : i32
    %dma_start3A_81 = tpu.memref_slice %arg5[%rem3A_73, %dma_start3A_80] : memref<8x128xi32, #tpu.memory_space<vmem>> -> memref<1x128xi32, #tpu.memory_space<vmem>>
    %dma_start3A_82 = tpu.memref_squeeze %dma_start3A_81 : memref<1x128xi32, #tpu.memory_space<vmem>> -> memref<128xi32, #tpu.memory_space<vmem>>
    %dma_start3A_83 = arith.constant 0 : i32
    %dma_start3A_84 = tpu.memref_slice %arg3[%shift_right_logical3A_77, %and3A_79, %dma_start3A_83] : memref<50x128x128xi32, #tpu.memory_space<hbm>> -> memref<1x1x128xi32, #tpu.memory_space<hbm>>
    %dma_start3A_85 = tpu.memref_squeeze %dma_start3A_84 : memref<1x1x128xi32, #tpu.memory_space<hbm>> -> memref<128xi32, #tpu.memory_space<hbm>>
    %dma_start3A_86 = tpu.memref_slice %arg9[%rem3A_73] : memref<8x!tpu.dma_semaphore, #tpu.memory_space<semaphore_mem>> -> memref<1x!tpu.dma_semaphore, #tpu.memory_space<semaphore_mem>>
    %dma_start3A_87 = tpu.memref_squeeze %dma_start3A_86 : memref<1x!tpu.dma_semaphore, #tpu.memory_space<semaphore_mem>> -> memref<!tpu.dma_semaphore, #tpu.memory_space<semaphore_mem>>
    %dma_start3A_88 = arith.constant 0 : i32
    %dma_start3A_89 = tpu.memref_slice %arg5[%rem3A_73, %dma_start3A_88] : memref<8x128xi32, #tpu.memory_space<vmem>> -> memref<1x128xi32, #tpu.memory_space<vmem>>
    %dma_start3A_90 = tpu.memref_squeeze %dma_start3A_89 : memref<1x128xi32, #tpu.memory_space<vmem>> -> memref<128xi32, #tpu.memory_space<vmem>>
    %dma_start3A_91 = arith.constant 0 : i32
    %dma_start3A_92 = tpu.memref_slice %arg3[%shift_right_logical3A_77, %and3A_79, %dma_start3A_91] : memref<50x128x128xi32, #tpu.memory_space<hbm>> -> memref<1x1x128xi32, #tpu.memory_space<hbm>>
    %dma_start3A_93 = tpu.memref_squeeze %dma_start3A_92 : memref<1x1x128xi32, #tpu.memory_space<hbm>> -> memref<128xi32, #tpu.memory_space<hbm>>
    tpu.enqueue_dma source(%dma_start3A_93 : memref<128xi32, #tpu.memory_space<hbm>>) target(%dma_start3A_90 : memref<128xi32, #tpu.memory_space<vmem>>) target_semaphore(%dma_start3A_87 : memref<!tpu.dma_semaphore, #tpu.memory_space<semaphore_mem>>)
    %rem3A_94 = arith.constant 2 : i32
    %rem3A_95 = arith.constant 8 : i32
    %rem3A_96 = arith.remsi %rem3A_94, %rem3A_95 : i32
    %add3A_97 = arith.constant 2 : i32
    %add3A_98 = arith.addi %mul3A_2, %add3A_97 : i32
    %shift_right_logical3A_99 = arith.constant 7 : i32
    %shift_right_logical3A_100 = arith.shrui %add3A_98, %shift_right_logical3A_99 : i32
    %and3A_101 = arith.constant 127 : i32
    %and3A_102 = arith.andi %add3A_98, %and3A_101 : i32
    %dma_start3A_103 = arith.constant 0 : i32
    %dma_start3A_104 = tpu.memref_slice %arg5[%rem3A_96, %dma_start3A_103] : memref<8x128xi32, #tpu.memory_space<vmem>> -> memref<1x128xi32, #tpu.memory_space<vmem>>
    %dma_start3A_105 = tpu.memref_squeeze %dma_start3A_104 : memref<1x128xi32, #tpu.memory_space<vmem>> -> memref<128xi32, #tpu.memory_space<vmem>>
    %dma_start3A_106 = arith.constant 0 : i32
    %dma_start3A_107 = tpu.memref_slice %arg3[%shift_right_logical3A_100, %and3A_102, %dma_start3A_106] : memref<50x128x128xi32, #tpu.memory_space<hbm>> -> memref<1x1x128xi32, #tpu.memory_space<hbm>>
    %dma_start3A_108 = tpu.memref_squeeze %dma_start3A_107 : memref<1x1x128xi32, #tpu.memory_space<hbm>> -> memref<128xi32, #tpu.memory_space<hbm>>
    %dma_start3A_109 = tpu.memref_slice %arg9[%rem3A_96] : memref<8x!tpu.dma_semaphore, #tpu.memory_space<semaphore_mem>> -> memref<1x!tpu.dma_semaphore, #tpu.memory_space<semaphore_mem>>
    %dma_start3A_110 = tpu.memref_squeeze %dma_start3A_109 : memref<1x!tpu.dma_semaphore, #tpu.memory_space<semaphore_mem>> -> memref<!tpu.dma_semaphore, #tpu.memory_space<semaphore_mem>>
    %dma_start3A_111 = arith.constant 0 : i32
    %dma_start3A_112 = tpu.memref_slice %arg5[%rem3A_96, %dma_start3A_111] : memref<8x128xi32, #tpu.memory_space<vmem>> -> memref<1x128xi32, #tpu.memory_space<vmem>>
    %dma_start3A_113 = tpu.memref_squeeze %dma_start3A_112 : memref<1x128xi32, #tpu.memory_space<vmem>> -> memref<128xi32, #tpu.memory_space<vmem>>
    %dma_start3A_114 = arith.constant 0 : i32
    %dma_start3A_115 = tpu.memref_slice %arg3[%shift_right_logical3A_100, %and3A_102, %dma_start3A_114] : memref<50x128x128xi32, #tpu.memory_space<hbm>> -> memref<1x1x128xi32, #tpu.memory_space<hbm>>
    %dma_start3A_116 = tpu.memref_squeeze %dma_start3A_115 : memref<1x1x128xi32, #tpu.memory_space<hbm>> -> memref<128xi32, #tpu.memory_space<hbm>>
    tpu.enqueue_dma source(%dma_start3A_116 : memref<128xi32, #tpu.memory_space<hbm>>) target(%dma_start3A_113 : memref<128xi32, #tpu.memory_space<vmem>>) target_semaphore(%dma_start3A_110 : memref<!tpu.dma_semaphore, #tpu.memory_space<semaphore_mem>>)
    %rem3A_117 = arith.constant 3 : i32
    %rem3A_118 = arith.constant 8 : i32
    %rem3A_119 = arith.remsi %rem3A_117, %rem3A_118 : i32
    %add3A_120 = arith.constant 3 : i32
    %add3A_121 = arith.addi %mul3A_2, %add3A_120 : i32
    %shift_right_logical3A_122 = arith.constant 7 : i32
    %shift_right_logical3A_123 = arith.shrui %add3A_121, %shift_right_logical3A_122 : i32
    %and3A_124 = arith.constant 127 : i32
    %and3A_125 = arith.andi %add3A_121, %and3A_124 : i32
    %dma_start3A_126 = arith.constant 0 : i32
    %dma_start3A_127 = tpu.memref_slice %arg5[%rem3A_119, %dma_start3A_126] : memref<8x128xi32, #tpu.memory_space<vmem>> -> memref<1x128xi32, #tpu.memory_space<vmem>>
    %dma_start3A_128 = tpu.memref_squeeze %dma_start3A_127 : memref<1x128xi32, #tpu.memory_space<vmem>> -> memref<128xi32, #tpu.memory_space<vmem>>
    %dma_start3A_129 = arith.constant 0 : i32
    %dma_start3A_130 = tpu.memref_slice %arg3[%shift_right_logical3A_123, %and3A_125, %dma_start3A_129] : memref<50x128x128xi32, #tpu.memory_space<hbm>> -> memref<1x1x128xi32, #tpu.memory_space<hbm>>
    %dma_start3A_131 = tpu.memref_squeeze %dma_start3A_130 : memref<1x1x128xi32, #tpu.memory_space<hbm>> -> memref<128xi32, #tpu.memory_space<hbm>>
    %dma_start3A_132 = tpu.memref_slice %arg9[%rem3A_119] : memref<8x!tpu.dma_semaphore, #tpu.memory_space<semaphore_mem>> -> memref<1x!tpu.dma_semaphore, #tpu.memory_space<semaphore_mem>>
    %dma_start3A_133 = tpu.memref_squeeze %dma_start3A_132 : memref<1x!tpu.dma_semaphore, #tpu.memory_space<semaphore_mem>> -> memref<!tpu.dma_semaphore, #tpu.memory_space<semaphore_mem>>
    %dma_start3A_134 = arith.constant 0 : i32
    %dma_start3A_135 = tpu.memref_slice %arg5[%rem3A_119, %dma_start3A_134] : memref<8x128xi32, #tpu.memory_space<vmem>> -> memref<1x128xi32, #tpu.memory_space<vmem>>
    %dma_start3A_136 = tpu.memref_squeeze %dma_start3A_135 : memref<1x128xi32, #tpu.memory_space<vmem>> -> memref<128xi32, #tpu.memory_space<vmem>>
    %dma_start3A_137 = arith.constant 0 : i32
    %dma_start3A_138 = tpu.memref_slice %arg3[%shift_right_logical3A_123, %and3A_125, %dma_start3A_137] : memref<50x128x128xi32, #tpu.memory_space<hbm>> -> memref<1x1x128xi32, #tpu.memory_space<hbm>>
    %dma_start3A_139 = tpu.memref_squeeze %dma_start3A_138 : memref<1x1x128xi32, #tpu.memory_space<hbm>> -> memref<128xi32, #tpu.memory_space<hbm>>
    tpu.enqueue_dma source(%dma_start3A_139 : memref<128xi32, #tpu.memory_space<hbm>>) target(%dma_start3A_136 : memref<128xi32, #tpu.memory_space<vmem>>) target_semaphore(%dma_start3A_133 : memref<!tpu.dma_semaphore, #tpu.memory_space<semaphore_mem>>)
    %rem3A_140 = arith.constant 4 : i32
    %rem3A_141 = arith.constant 8 : i32
    %rem3A_142 = arith.remsi %rem3A_140, %rem3A_141 : i32
    %add3A_143 = arith.constant 4 : i32
    %add3A_144 = arith.addi %mul3A_2, %add3A_143 : i32
    %shift_right_logical3A_145 = arith.constant 7 : i32
    %shift_right_logical3A_146 = arith.shrui %add3A_144, %shift_right_logical3A_145 : i32
    %and3A_147 = arith.constant 127 : i32
    %and3A_148 = arith.andi %add3A_144, %and3A_147 : i32
    %dma_start3A_149 = arith.constant 0 : i32
    %dma_start3A_150 = tpu.memref_slice %arg5[%rem3A_142, %dma_start3A_149] : memref<8x128xi32, #tpu.memory_space<vmem>> -> memref<1x128xi32, #tpu.memory_space<vmem>>
    %dma_start3A_151 = tpu.memref_squeeze %dma_start3A_150 : memref<1x128xi32, #tpu.memory_space<vmem>> -> memref<128xi32, #tpu.memory_space<vmem>>
    %dma_start3A_152 = arith.constant 0 : i32
    %dma_start3A_153 = tpu.memref_slice %arg3[%shift_right_logical3A_146, %and3A_148, %dma_start3A_152] : memref<50x128x128xi32, #tpu.memory_space<hbm>> -> memref<1x1x128xi32, #tpu.memory_space<hbm>>
    %dma_start3A_154 = tpu.memref_squeeze %dma_start3A_153 : memref<1x1x128xi32, #tpu.memory_space<hbm>> -> memref<128xi32, #tpu.memory_space<hbm>>
    %dma_start3A_155 = tpu.memref_slice %arg9[%rem3A_142] : memref<8x!tpu.dma_semaphore, #tpu.memory_space<semaphore_mem>> -> memref<1x!tpu.dma_semaphore, #tpu.memory_space<semaphore_mem>>
    %dma_start3A_156 = tpu.memref_squeeze %dma_start3A_155 : memref<1x!tpu.dma_semaphore, #tpu.memory_space<semaphore_mem>> -> memref<!tpu.dma_semaphore, #tpu.memory_space<semaphore_mem>>
    %dma_start3A_157 = arith.constant 0 : i32
    %dma_start3A_158 = tpu.memref_slice %arg5[%rem3A_142, %dma_start3A_157] : memref<8x128xi32, #tpu.memory_space<vmem>> -> memref<1x128xi32, #tpu.memory_space<vmem>>
    %dma_start3A_159 = tpu.memref_squeeze %dma_start3A_158 : memref<1x128xi32, #tpu.memory_space<vmem>> -> memref<128xi32, #tpu.memory_space<vmem>>
    %dma_start3A_160 = arith.constant 0 : i32
    %dma_start3A_161 = tpu.memref_slice %arg3[%shift_right_logical3A_146, %and3A_148, %dma_start3A_160] : memref<50x128x128xi32, #tpu.memory_space<hbm>> -> memref<1x1x128xi32, #tpu.memory_space<hbm>>
    %dma_start3A_162 = tpu.memref_squeeze %dma_start3A_161 : memref<1x1x128xi32, #tpu.memory_space<hbm>> -> memref<128xi32, #tpu.memory_space<hbm>>
    tpu.enqueue_dma source(%dma_start3A_162 : memref<128xi32, #tpu.memory_space<hbm>>) target(%dma_start3A_159 : memref<128xi32, #tpu.memory_space<vmem>>) target_semaphore(%dma_start3A_156 : memref<!tpu.dma_semaphore, #tpu.memory_space<semaphore_mem>>)
    %rem3A_163 = arith.constant 0 : i32
    %rem3A_164 = arith.constant 8 : i32
    %rem3A_165 = arith.remsi %rem3A_163, %rem3A_164 : i32
    %add3A_166 = arith.constant 0 : i32
    %add3A_167 = arith.addi %mul3A_2, %add3A_166 : i32
    %shift_right_logical3A_168 = arith.constant 7 : i32
    %shift_right_logical3A_169 = arith.shrui %add3A_167, %shift_right_logical3A_168 : i32
    %and3A_170 = arith.constant 127 : i32
    %and3A_171 = arith.andi %add3A_167, %and3A_170 : i32
    %dma_wait3A = arith.constant 0 : i32
    %dma_wait3A_172 = tpu.memref_slice %arg5[%rem3A_165, %dma_wait3A] : memref<8x128xi32, #tpu.memory_space<vmem>> -> memref<1x128xi32, #tpu.memory_space<vmem>>
    %dma_wait3A_173 = tpu.memref_squeeze %dma_wait3A_172 : memref<1x128xi32, #tpu.memory_space<vmem>> -> memref<128xi32, #tpu.memory_space<vmem>>
    %dma_wait3A_174 = arith.constant 0 : i32
    %dma_wait3A_175 = tpu.memref_slice %arg3[%shift_right_logical3A_169, %and3A_171, %dma_wait3A_174] : memref<50x128x128xi32, #tpu.memory_space<hbm>> -> memref<1x1x128xi32, #tpu.memory_space<hbm>>
    %dma_wait3A_176 = tpu.memref_squeeze %dma_wait3A_175 : memref<1x1x128xi32, #tpu.memory_space<hbm>> -> memref<128xi32, #tpu.memory_space<hbm>>
    %dma_wait3A_177 = tpu.memref_slice %arg9[%rem3A_165] : memref<8x!tpu.dma_semaphore, #tpu.memory_space<semaphore_mem>> -> memref<1x!tpu.dma_semaphore, #tpu.memory_space<semaphore_mem>>
    %dma_wait3A_178 = tpu.memref_squeeze %dma_wait3A_177 : memref<1x!tpu.dma_semaphore, #tpu.memory_space<semaphore_mem>> -> memref<!tpu.dma_semaphore, #tpu.memory_space<semaphore_mem>>
    %dma_wait3A_179 = arith.constant 0 : i32
    %dma_wait3A_180 = tpu.memref_slice %arg5[%rem3A_165, %dma_wait3A_179] : memref<8x128xi32, #tpu.memory_space<vmem>> -> memref<1x128xi32, #tpu.memory_space<vmem>>
    %dma_wait3A_181 = tpu.memref_squeeze %dma_wait3A_180 : memref<1x128xi32, #tpu.memory_space<vmem>> -> memref<128xi32, #tpu.memory_space<vmem>>
    %dma_wait3A_182 = arith.constant 0 : i32
    %dma_wait3A_183 = tpu.memref_slice %arg3[%shift_right_logical3A_169, %and3A_171, %dma_wait3A_182] : memref<50x128x128xi32, #tpu.memory_space<hbm>> -> memref<1x1x128xi32, #tpu.memory_space<hbm>>
    %dma_wait3A_184 = tpu.memref_squeeze %dma_wait3A_183 : memref<1x1x128xi32, #tpu.memory_space<hbm>> -> memref<128xi32, #tpu.memory_space<hbm>>
    tpu.wait_dma2 semaphore(%dma_wait3A_178 : memref<!tpu.dma_semaphore, #tpu.memory_space<semaphore_mem>>) src(%dma_wait3A_184 : memref<128xi32, #tpu.memory_space<hbm>>) dst(%dma_wait3A_181 : memref<128xi32, #tpu.memory_space<vmem>>)
    %rem3A_185 = arith.constant 0 : i32
    %rem3A_186 = arith.constant 8 : i32
    %rem3A_187 = arith.remsi %rem3A_185, %rem3A_186 : i32
    %mul3A_188 = arith.constant 128 : i32
    %mul3A_189 = arith.muli %rem3A_187, %mul3A_188 : i32
    %dma_start3A_190 = arith.constant 0 : i32
    %dma_start3A_191 = tpu.memref_slice %arg6[%mul3A_189, %dma_start3A_190] : memref<1024x64xf32, #tpu.memory_space<vmem>> -> memref<128x64xf32, #tpu.memory_space<vmem>>
    %dma_start3A_192 = arith.constant 0 : i32
    %dma_start3A_193 = tpu.memref_slice %arg5[%rem3A_187, %dma_start3A_192] : memref<8x128xi32, #tpu.memory_space<vmem>> -> memref<1x128xi32, #tpu.memory_space<vmem>>
    %dma_start3A_194 = tpu.memref_squeeze %dma_start3A_193 : memref<1x128xi32, #tpu.memory_space<vmem>> -> memref<128xi32, #tpu.memory_space<vmem>>
    %dma_start3A_195 = arith.constant 0 : i32
    %dma_start3A_196 = arith.constant 0 : i32
    %dma_start3A_197 = tpu.memref_slice %arg2[%dma_start3A_195, %dma_start3A_196] : memref<1000000x64xf32, #tpu.memory_space<hbm>> -> memref<1000000x64xf32, #tpu.memory_space<hbm>>
    %dma_start3A_198 = tpu.memref_slice %arg10[%rem3A_187] : memref<8x!tpu.dma_semaphore, #tpu.memory_space<semaphore_mem>> -> memref<1x!tpu.dma_semaphore, #tpu.memory_space<semaphore_mem>>
    %dma_start3A_199 = tpu.memref_squeeze %dma_start3A_198 : memref<1x!tpu.dma_semaphore, #tpu.memory_space<semaphore_mem>> -> memref<!tpu.dma_semaphore, #tpu.memory_space<semaphore_mem>>
    tpu.enqueue_indirect_dma source(%dma_start3A_197 : memref<1000000x64xf32, #tpu.memory_space<hbm>>) target(%dma_start3A_191 : memref<128x64xf32, #tpu.memory_space<vmem>>) offsets(%dma_start3A_194 : memref<128xi32, #tpu.memory_space<vmem>>) semaphore(%dma_start3A_199 : memref<!tpu.dma_semaphore, #tpu.memory_space<semaphore_mem>>)
    %rem3A_200 = arith.constant 1 : i32
    %rem3A_201 = arith.constant 8 : i32
    %rem3A_202 = arith.remsi %rem3A_200, %rem3A_201 : i32
    %add3A_203 = arith.constant 1 : i32
    %add3A_204 = arith.addi %mul3A_2, %add3A_203 : i32
    %shift_right_logical3A_205 = arith.constant 7 : i32
    %shift_right_logical3A_206 = arith.shrui %add3A_204, %shift_right_logical3A_205 : i32
    %and3A_207 = arith.constant 127 : i32
    %and3A_208 = arith.andi %add3A_204, %and3A_207 : i32
    %dma_wait3A_209 = arith.constant 0 : i32
    %dma_wait3A_210 = tpu.memref_slice %arg5[%rem3A_202, %dma_wait3A_209] : memref<8x128xi32, #tpu.memory_space<vmem>> -> memref<1x128xi32, #tpu.memory_space<vmem>>
    %dma_wait3A_211 = tpu.memref_squeeze %dma_wait3A_210 : memref<1x128xi32, #tpu.memory_space<vmem>> -> memref<128xi32, #tpu.memory_space<vmem>>
    %dma_wait3A_212 = arith.constant 0 : i32
    %dma_wait3A_213 = tpu.memref_slice %arg3[%shift_right_logical3A_206, %and3A_208, %dma_wait3A_212] : memref<50x128x128xi32, #tpu.memory_space<hbm>> -> memref<1x1x128xi32, #tpu.memory_space<hbm>>
    %dma_wait3A_214 = tpu.memref_squeeze %dma_wait3A_213 : memref<1x1x128xi32, #tpu.memory_space<hbm>> -> memref<128xi32, #tpu.memory_space<hbm>>
    %dma_wait3A_215 = tpu.memref_slice %arg9[%rem3A_202] : memref<8x!tpu.dma_semaphore, #tpu.memory_space<semaphore_mem>> -> memref<1x!tpu.dma_semaphore, #tpu.memory_space<semaphore_mem>>
    %dma_wait3A_216 = tpu.memref_squeeze %dma_wait3A_215 : memref<1x!tpu.dma_semaphore, #tpu.memory_space<semaphore_mem>> -> memref<!tpu.dma_semaphore, #tpu.memory_space<semaphore_mem>>
    %dma_wait3A_217 = arith.constant 0 : i32
    %dma_wait3A_218 = tpu.memref_slice %arg5[%rem3A_202, %dma_wait3A_217] : memref<8x128xi32, #tpu.memory_space<vmem>> -> memref<1x128xi32, #tpu.memory_space<vmem>>
    %dma_wait3A_219 = tpu.memref_squeeze %dma_wait3A_218 : memref<1x128xi32, #tpu.memory_space<vmem>> -> memref<128xi32, #tpu.memory_space<vmem>>
    %dma_wait3A_220 = arith.constant 0 : i32
    %dma_wait3A_221 = tpu.memref_slice %arg3[%shift_right_logical3A_206, %and3A_208, %dma_wait3A_220] : memref<50x128x128xi32, #tpu.memory_space<hbm>> -> memref<1x1x128xi32, #tpu.memory_space<hbm>>
    %dma_wait3A_222 = tpu.memref_squeeze %dma_wait3A_221 : memref<1x1x128xi32, #tpu.memory_space<hbm>> -> memref<128xi32, #tpu.memory_space<hbm>>
    tpu.wait_dma2 semaphore(%dma_wait3A_216 : memref<!tpu.dma_semaphore, #tpu.memory_space<semaphore_mem>>) src(%dma_wait3A_222 : memref<128xi32, #tpu.memory_space<hbm>>) dst(%dma_wait3A_219 : memref<128xi32, #tpu.memory_space<vmem>>)
    %rem3A_223 = arith.constant 1 : i32
    %rem3A_224 = arith.constant 8 : i32
    %rem3A_225 = arith.remsi %rem3A_223, %rem3A_224 : i32
    %mul3A_226 = arith.constant 128 : i32
    %mul3A_227 = arith.muli %rem3A_225, %mul3A_226 : i32
    %dma_start3A_228 = arith.constant 0 : i32
    %dma_start3A_229 = tpu.memref_slice %arg6[%mul3A_227, %dma_start3A_228] : memref<1024x64xf32, #tpu.memory_space<vmem>> -> memref<128x64xf32, #tpu.memory_space<vmem>>
    %dma_start3A_230 = arith.constant 0 : i32
    %dma_start3A_231 = tpu.memref_slice %arg5[%rem3A_225, %dma_start3A_230] : memref<8x128xi32, #tpu.memory_space<vmem>> -> memref<1x128xi32, #tpu.memory_space<vmem>>
    %dma_start3A_232 = tpu.memref_squeeze %dma_start3A_231 : memref<1x128xi32, #tpu.memory_space<vmem>> -> memref<128xi32, #tpu.memory_space<vmem>>
    %dma_start3A_233 = arith.constant 0 : i32
    %dma_start3A_234 = arith.constant 0 : i32
    %dma_start3A_235 = tpu.memref_slice %arg2[%dma_start3A_233, %dma_start3A_234] : memref<1000000x64xf32, #tpu.memory_space<hbm>> -> memref<1000000x64xf32, #tpu.memory_space<hbm>>
    %dma_start3A_236 = tpu.memref_slice %arg10[%rem3A_225] : memref<8x!tpu.dma_semaphore, #tpu.memory_space<semaphore_mem>> -> memref<1x!tpu.dma_semaphore, #tpu.memory_space<semaphore_mem>>
    %dma_start3A_237 = tpu.memref_squeeze %dma_start3A_236 : memref<1x!tpu.dma_semaphore, #tpu.memory_space<semaphore_mem>> -> memref<!tpu.dma_semaphore, #tpu.memory_space<semaphore_mem>>
    tpu.enqueue_indirect_dma source(%dma_start3A_235 : memref<1000000x64xf32, #tpu.memory_space<hbm>>) target(%dma_start3A_229 : memref<128x64xf32, #tpu.memory_space<vmem>>) offsets(%dma_start3A_232 : memref<128xi32, #tpu.memory_space<vmem>>) semaphore(%dma_start3A_237 : memref<!tpu.dma_semaphore, #tpu.memory_space<semaphore_mem>>)
    %rem3A_238 = arith.constant 2 : i32
    %rem3A_239 = arith.constant 8 : i32
    %rem3A_240 = arith.remsi %rem3A_238, %rem3A_239 : i32
    %add3A_241 = arith.constant 2 : i32
    %add3A_242 = arith.addi %mul3A_2, %add3A_241 : i32
    %shift_right_logical3A_243 = arith.constant 7 : i32
    %shift_right_logical3A_244 = arith.shrui %add3A_242, %shift_right_logical3A_243 : i32
    %and3A_245 = arith.constant 127 : i32
    %and3A_246 = arith.andi %add3A_242, %and3A_245 : i32
    %dma_wait3A_247 = arith.constant 0 : i32
    %dma_wait3A_248 = tpu.memref_slice %arg5[%rem3A_240, %dma_wait3A_247] : memref<8x128xi32, #tpu.memory_space<vmem>> -> memref<1x128xi32, #tpu.memory_space<vmem>>
    %dma_wait3A_249 = tpu.memref_squeeze %dma_wait3A_248 : memref<1x128xi32, #tpu.memory_space<vmem>> -> memref<128xi32, #tpu.memory_space<vmem>>
    %dma_wait3A_250 = arith.constant 0 : i32
    %dma_wait3A_251 = tpu.memref_slice %arg3[%shift_right_logical3A_244, %and3A_246, %dma_wait3A_250] : memref<50x128x128xi32, #tpu.memory_space<hbm>> -> memref<1x1x128xi32, #tpu.memory_space<hbm>>
    %dma_wait3A_252 = tpu.memref_squeeze %dma_wait3A_251 : memref<1x1x128xi32, #tpu.memory_space<hbm>> -> memref<128xi32, #tpu.memory_space<hbm>>
    %dma_wait3A_253 = tpu.memref_slice %arg9[%rem3A_240] : memref<8x!tpu.dma_semaphore, #tpu.memory_space<semaphore_mem>> -> memref<1x!tpu.dma_semaphore, #tpu.memory_space<semaphore_mem>>
    %dma_wait3A_254 = tpu.memref_squeeze %dma_wait3A_253 : memref<1x!tpu.dma_semaphore, #tpu.memory_space<semaphore_mem>> -> memref<!tpu.dma_semaphore, #tpu.memory_space<semaphore_mem>>
    %dma_wait3A_255 = arith.constant 0 : i32
    %dma_wait3A_256 = tpu.memref_slice %arg5[%rem3A_240, %dma_wait3A_255] : memref<8x128xi32, #tpu.memory_space<vmem>> -> memref<1x128xi32, #tpu.memory_space<vmem>>
    %dma_wait3A_257 = tpu.memref_squeeze %dma_wait3A_256 : memref<1x128xi32, #tpu.memory_space<vmem>> -> memref<128xi32, #tpu.memory_space<vmem>>
    %dma_wait3A_258 = arith.constant 0 : i32
    %dma_wait3A_259 = tpu.memref_slice %arg3[%shift_right_logical3A_244, %and3A_246, %dma_wait3A_258] : memref<50x128x128xi32, #tpu.memory_space<hbm>> -> memref<1x1x128xi32, #tpu.memory_space<hbm>>
    %dma_wait3A_260 = tpu.memref_squeeze %dma_wait3A_259 : memref<1x1x128xi32, #tpu.memory_space<hbm>> -> memref<128xi32, #tpu.memory_space<hbm>>
    tpu.wait_dma2 semaphore(%dma_wait3A_254 : memref<!tpu.dma_semaphore, #tpu.memory_space<semaphore_mem>>) src(%dma_wait3A_260 : memref<128xi32, #tpu.memory_space<hbm>>) dst(%dma_wait3A_257 : memref<128xi32, #tpu.memory_space<vmem>>)
    %rem3A_261 = arith.constant 2 : i32
    %rem3A_262 = arith.constant 8 : i32
    %rem3A_263 = arith.remsi %rem3A_261, %rem3A_262 : i32
    %mul3A_264 = arith.constant 128 : i32
    %mul3A_265 = arith.muli %rem3A_263, %mul3A_264 : i32
    %dma_start3A_266 = arith.constant 0 : i32
    %dma_start3A_267 = tpu.memref_slice %arg6[%mul3A_265, %dma_start3A_266] : memref<1024x64xf32, #tpu.memory_space<vmem>> -> memref<128x64xf32, #tpu.memory_space<vmem>>
    %dma_start3A_268 = arith.constant 0 : i32
    %dma_start3A_269 = tpu.memref_slice %arg5[%rem3A_263, %dma_start3A_268] : memref<8x128xi32, #tpu.memory_space<vmem>> -> memref<1x128xi32, #tpu.memory_space<vmem>>
    %dma_start3A_270 = tpu.memref_squeeze %dma_start3A_269 : memref<1x128xi32, #tpu.memory_space<vmem>> -> memref<128xi32, #tpu.memory_space<vmem>>
    %dma_start3A_271 = arith.constant 0 : i32
    %dma_start3A_272 = arith.constant 0 : i32
    %dma_start3A_273 = tpu.memref_slice %arg2[%dma_start3A_271, %dma_start3A_272] : memref<1000000x64xf32, #tpu.memory_space<hbm>> -> memref<1000000x64xf32, #tpu.memory_space<hbm>>
    %dma_start3A_274 = tpu.memref_slice %arg10[%rem3A_263] : memref<8x!tpu.dma_semaphore, #tpu.memory_space<semaphore_mem>> -> memref<1x!tpu.dma_semaphore, #tpu.memory_space<semaphore_mem>>
    %dma_start3A_275 = tpu.memref_squeeze %dma_start3A_274 : memref<1x!tpu.dma_semaphore, #tpu.memory_space<semaphore_mem>> -> memref<!tpu.dma_semaphore, #tpu.memory_space<semaphore_mem>>
    tpu.enqueue_indirect_dma source(%dma_start3A_273 : memref<1000000x64xf32, #tpu.memory_space<hbm>>) target(%dma_start3A_267 : memref<128x64xf32, #tpu.memory_space<vmem>>) offsets(%dma_start3A_270 : memref<128xi32, #tpu.memory_space<vmem>>) semaphore(%dma_start3A_275 : memref<!tpu.dma_semaphore, #tpu.memory_space<semaphore_mem>>)
    %rem3A_276 = arith.constant 3 : i32
    %rem3A_277 = arith.constant 8 : i32
    %rem3A_278 = arith.remsi %rem3A_276, %rem3A_277 : i32
    %add3A_279 = arith.constant 3 : i32
    %add3A_280 = arith.addi %mul3A_2, %add3A_279 : i32
    %shift_right_logical3A_281 = arith.constant 7 : i32
    %shift_right_logical3A_282 = arith.shrui %add3A_280, %shift_right_logical3A_281 : i32
    %and3A_283 = arith.constant 127 : i32
    %and3A_284 = arith.andi %add3A_280, %and3A_283 : i32
    %dma_wait3A_285 = arith.constant 0 : i32
    %dma_wait3A_286 = tpu.memref_slice %arg5[%rem3A_278, %dma_wait3A_285] : memref<8x128xi32, #tpu.memory_space<vmem>> -> memref<1x128xi32, #tpu.memory_space<vmem>>
    %dma_wait3A_287 = tpu.memref_squeeze %dma_wait3A_286 : memref<1x128xi32, #tpu.memory_space<vmem>> -> memref<128xi32, #tpu.memory_space<vmem>>
    %dma_wait3A_288 = arith.constant 0 : i32
    %dma_wait3A_289 = tpu.memref_slice %arg3[%shift_right_logical3A_282, %and3A_284, %dma_wait3A_288] : memref<50x128x128xi32, #tpu.memory_space<hbm>> -> memref<1x1x128xi32, #tpu.memory_space<hbm>>
    %dma_wait3A_290 = tpu.memref_squeeze %dma_wait3A_289 : memref<1x1x128xi32, #tpu.memory_space<hbm>> -> memref<128xi32, #tpu.memory_space<hbm>>
    %dma_wait3A_291 = tpu.memref_slice %arg9[%rem3A_278] : memref<8x!tpu.dma_semaphore, #tpu.memory_space<semaphore_mem>> -> memref<1x!tpu.dma_semaphore, #tpu.memory_space<semaphore_mem>>
    %dma_wait3A_292 = tpu.memref_squeeze %dma_wait3A_291 : memref<1x!tpu.dma_semaphore, #tpu.memory_space<semaphore_mem>> -> memref<!tpu.dma_semaphore, #tpu.memory_space<semaphore_mem>>
    %dma_wait3A_293 = arith.constant 0 : i32
    %dma_wait3A_294 = tpu.memref_slice %arg5[%rem3A_278, %dma_wait3A_293] : memref<8x128xi32, #tpu.memory_space<vmem>> -> memref<1x128xi32, #tpu.memory_space<vmem>>
    %dma_wait3A_295 = tpu.memref_squeeze %dma_wait3A_294 : memref<1x128xi32, #tpu.memory_space<vmem>> -> memref<128xi32, #tpu.memory_space<vmem>>
    %dma_wait3A_296 = arith.constant 0 : i32
    %dma_wait3A_297 = tpu.memref_slice %arg3[%shift_right_logical3A_282, %and3A_284, %dma_wait3A_296] : memref<50x128x128xi32, #tpu.memory_space<hbm>> -> memref<1x1x128xi32, #tpu.memory_space<hbm>>
    %dma_wait3A_298 = tpu.memref_squeeze %dma_wait3A_297 : memref<1x1x128xi32, #tpu.memory_space<hbm>> -> memref<128xi32, #tpu.memory_space<hbm>>
    tpu.wait_dma2 semaphore(%dma_wait3A_292 : memref<!tpu.dma_semaphore, #tpu.memory_space<semaphore_mem>>) src(%dma_wait3A_298 : memref<128xi32, #tpu.memory_space<hbm>>) dst(%dma_wait3A_295 : memref<128xi32, #tpu.memory_space<vmem>>)
    %rem3A_299 = arith.constant 3 : i32
    %rem3A_300 = arith.constant 8 : i32
    %rem3A_301 = arith.remsi %rem3A_299, %rem3A_300 : i32
    %mul3A_302 = arith.constant 128 : i32
    %mul3A_303 = arith.muli %rem3A_301, %mul3A_302 : i32
    %dma_start3A_304 = arith.constant 0 : i32
    %dma_start3A_305 = tpu.memref_slice %arg6[%mul3A_303, %dma_start3A_304] : memref<1024x64xf32, #tpu.memory_space<vmem>> -> memref<128x64xf32, #tpu.memory_space<vmem>>
    %dma_start3A_306 = arith.constant 0 : i32
    %dma_start3A_307 = tpu.memref_slice %arg5[%rem3A_301, %dma_start3A_306] : memref<8x128xi32, #tpu.memory_space<vmem>> -> memref<1x128xi32, #tpu.memory_space<vmem>>
    %dma_start3A_308 = tpu.memref_squeeze %dma_start3A_307 : memref<1x128xi32, #tpu.memory_space<vmem>> -> memref<128xi32, #tpu.memory_space<vmem>>
    %dma_start3A_309 = arith.constant 0 : i32
    %dma_start3A_310 = arith.constant 0 : i32
    %dma_start3A_311 = tpu.memref_slice %arg2[%dma_start3A_309, %dma_start3A_310] : memref<1000000x64xf32, #tpu.memory_space<hbm>> -> memref<1000000x64xf32, #tpu.memory_space<hbm>>
    %dma_start3A_312 = tpu.memref_slice %arg10[%rem3A_301] : memref<8x!tpu.dma_semaphore, #tpu.memory_space<semaphore_mem>> -> memref<1x!tpu.dma_semaphore, #tpu.memory_space<semaphore_mem>>
    %dma_start3A_313 = tpu.memref_squeeze %dma_start3A_312 : memref<1x!tpu.dma_semaphore, #tpu.memory_space<semaphore_mem>> -> memref<!tpu.dma_semaphore, #tpu.memory_space<semaphore_mem>>
    tpu.enqueue_indirect_dma source(%dma_start3A_311 : memref<1000000x64xf32, #tpu.memory_space<hbm>>) target(%dma_start3A_305 : memref<128x64xf32, #tpu.memory_space<vmem>>) offsets(%dma_start3A_308 : memref<128xi32, #tpu.memory_space<vmem>>) semaphore(%dma_start3A_313 : memref<!tpu.dma_semaphore, #tpu.memory_space<semaphore_mem>>)
    %scan3A = arith.constant 0 : i32
    %scan3A_314 = arith.constant 0 : i32
    %scan3A_315 = arith.constant 100 : i32
    %scan3A_316 = arith.addi %scan3A_314, %scan3A_315 : i32
    %scan3A_317 = arith.constant 1 : i32
    scf.for %scan3A_371 = %scan3A_314 to %scan3A_316 step %scan3A_317  : i32 {
      %mul3A_372 = arith.constant 2 : i32
      %mul3A_373 = arith.muli %mul3A_372, %scan3A_371 : i32
      %add3A_374 = arith.constant 0 : i32
      %add3A_375 = arith.addi %mul3A_373, %add3A_374 : i32
      %rem3A_376 = arith.constant 8 : i32
      %rem3A_377 = arith.remsi %add3A_375, %rem3A_376 : i32
      %mul3A_378 = arith.constant 128 : i32
      %mul3A_379 = arith.muli %rem3A_377, %mul3A_378 : i32
      %rem3A_380 = arith.constant 8 : i32
      %rem3A_381 = arith.remsi %add3A_375, %rem3A_380 : i32
      %mul3A_382 = arith.constant 128 : i32
      %mul3A_383 = arith.muli %rem3A_381, %mul3A_382 : i32
      %dma_wait3A_384 = arith.constant 0 : i32
      %dma_wait3A_385 = tpu.memref_slice %arg6[%mul3A_383, %dma_wait3A_384] : memref<1024x64xf32, #tpu.memory_space<vmem>> -> memref<128x64xf32, #tpu.memory_space<vmem>>
      %dma_wait3A_386 = arith.constant 0 : i32
      %dma_wait3A_387 = tpu.memref_slice %arg5[%rem3A_381, %dma_wait3A_386] : memref<8x128xi32, #tpu.memory_space<vmem>> -> memref<1x128xi32, #tpu.memory_space<vmem>>
      %dma_wait3A_388 = tpu.memref_squeeze %dma_wait3A_387 : memref<1x128xi32, #tpu.memory_space<vmem>> -> memref<128xi32, #tpu.memory_space<vmem>>
      %dma_wait3A_389 = arith.constant 0 : i32
      %dma_wait3A_390 = arith.constant 0 : i32
      %dma_wait3A_391 = tpu.memref_slice %arg2[%dma_wait3A_389, %dma_wait3A_390] : memref<1000000x64xf32, #tpu.memory_space<hbm>> -> memref<1000000x64xf32, #tpu.memory_space<hbm>>
      %dma_wait3A_392 = tpu.memref_slice %arg10[%rem3A_381] : memref<8x!tpu.dma_semaphore, #tpu.memory_space<semaphore_mem>> -> memref<1x!tpu.dma_semaphore, #tpu.memory_space<semaphore_mem>>
      %dma_wait3A_393 = tpu.memref_squeeze %dma_wait3A_392 : memref<1x!tpu.dma_semaphore, #tpu.memory_space<semaphore_mem>> -> memref<!tpu.dma_semaphore, #tpu.memory_space<semaphore_mem>>
      tpu.wait_indirect_dma semaphore(%dma_wait3A_393 : memref<!tpu.dma_semaphore, #tpu.memory_space<semaphore_mem>>) src(%dma_wait3A_391 : memref<1000000x64xf32, #tpu.memory_space<hbm>>) dst(%dma_wait3A_385 : memref<128x64xf32, #tpu.memory_space<vmem>>)
      %ge3A = arith.constant 1 : i32
      %ge3A_394 = arith.cmpi sge, %scan3A_371, %ge3A : i32
      %convert_element_type3A = arith.extui %ge3A_394 : i1 to i32
      %cond3A = arith.constant 0 : i32
      %cond3A_395 = arith.cmpi ne, %convert_element_type3A, %cond3A : i32
      scf.if %cond3A_395 {
        %sub3A = arith.constant 2 : i32
        %sub3A_505 = arith.subi %add3A_375, %sub3A : i32
        %add3A_506 = arith.addi %mul3A_2, %sub3A_505 : i32
        %shift_right_logical3A_507 = arith.constant 7 : i32
        %shift_right_logical3A_508 = arith.shrui %add3A_506, %shift_right_logical3A_507 : i32
        %and3A_509 = arith.constant 127 : i32
        %and3A_510 = arith.andi %add3A_506, %and3A_509 : i32
        %dma_wait3A_511 = arith.constant 0 : i32
        %dma_wait3A_512 = arith.constant 0 : i32
        %dma_wait3A_513 = arith.constant 0 : i32
        %dma_wait3A_514 = arith.constant 0 : i32
        %dma_wait3A_515 = tpu.memref_slice %arg7[%dma_wait3A_511, %dma_wait3A_512, %dma_wait3A_513, %dma_wait3A_514] : memref<8x1x8x129xf32, #tpu.memory_space<vmem>> -> memref<8x1x8x128xf32, #tpu.memory_space<vmem>>
        %dma_wait3A_516 = arith.constant 0 : i32
        %dma_wait3A_517 = arith.constant 0 : i32
        %dma_wait3A_518 = arith.constant 0 : i32
        %dma_wait3A_519 = tpu.memref_slice %arg4[%shift_right_logical3A_508, %dma_wait3A_516, %and3A_510, %dma_wait3A_517, %dma_wait3A_518] : memref<50x8x128x8x128xf32, #tpu.memory_space<hbm>> -> memref<1x8x1x8x128xf32, #tpu.memory_space<hbm>>
        %dma_wait3A_520 = tpu.memref_squeeze %dma_wait3A_519 : memref<1x8x1x8x128xf32, #tpu.memory_space<hbm>> -> memref<8x1x8x128xf32, #tpu.memory_space<hbm>>
        %dma_wait3A_521 = arith.constant 0 : i32
        %dma_wait3A_522 = arith.constant 0 : i32
        %dma_wait3A_523 = arith.constant 0 : i32
        %dma_wait3A_524 = tpu.memref_slice %arg4[%shift_right_logical3A_508, %dma_wait3A_521, %and3A_510, %dma_wait3A_522, %dma_wait3A_523] : memref<50x8x128x8x128xf32, #tpu.memory_space<hbm>> -> memref<1x8x1x8x128xf32, #tpu.memory_space<hbm>>
        %dma_wait3A_525 = tpu.memref_squeeze %dma_wait3A_524 : memref<1x8x1x8x128xf32, #tpu.memory_space<hbm>> -> memref<8x1x8x128xf32, #tpu.memory_space<hbm>>
        %dma_wait3A_526 = arith.constant 0 : i32
        %dma_wait3A_527 = arith.constant 0 : i32
        %dma_wait3A_528 = arith.constant 0 : i32
        %dma_wait3A_529 = arith.constant 0 : i32
        %dma_wait3A_530 = tpu.memref_slice %arg7[%dma_wait3A_526, %dma_wait3A_527, %dma_wait3A_528, %dma_wait3A_529] : memref<8x1x8x129xf32, #tpu.memory_space<vmem>> -> memref<8x1x8x128xf32, #tpu.memory_space<vmem>>
        tpu.wait_dma2 semaphore(%arg11 : memref<!tpu.dma_semaphore, #tpu.memory_space<semaphore_mem>>) src(%dma_wait3A_530 : memref<8x1x8x128xf32, #tpu.memory_space<vmem>>) dst(%dma_wait3A_525 : memref<8x1x8x128xf32, #tpu.memory_space<hbm>>)
      } else {
      }
      %parallel_loop3A = arith.constant 0 : i32
      %parallel_loop3A_396 = arith.constant 128 : i32
      %parallel_loop3A_397 = arith.constant 1 : i32
      scf.for %parallel_loop3A_505 = %parallel_loop3A to %parallel_loop3A_396 step %parallel_loop3A_397  : i32 {
        %parallel_loop3A_506 = arith.constant 0 : i32
        %parallel_loop3A_507 = vector.broadcast %parallel_loop3A_506 : i32 to vector<16xi32>
        %parallel_loop3A_508 = vector.broadcast %parallel_loop3A_505 : i32 to vector<16xi32>
        %parallel_loop3A_509 = arith.addi %parallel_loop3A_507, %parallel_loop3A_508 : vector<16xi32>
        %parallel_loop3A_510 = arith.addi %mul3A_379, %parallel_loop3A_505 : i32
        %parallel_loop3A_511 = arith.index_cast %parallel_loop3A_510 : i32 to index
        %parallel_loop3A_512 = arith.constant 0 : index
        %parallel_loop3A_513 = tpu.vector_load %arg6[%parallel_loop3A_511, %parallel_loop3A_512] {strides = array<i32>} : memref<1024x64xf32, #tpu.memory_space<vmem>>, vector<16xf32>,
        tpu.vector_store_idx %arg7[%shift_right_logical3A_8, %broadcast_in_dim3A_3, %and3A_31, %parallel_loop3A_509], %parallel_loop3A_513 : memref<8x1x8x129xf32, #tpu.memory_space<vmem>>[vector<16xi32>, vector<16xi32>, vector<16xi32>, vector<16xi32>], vector<16xf32>,
        %parallel_loop3A_514 = arith.addi %mul3A_379, %parallel_loop3A_505 : i32
        %parallel_loop3A_515 = arith.index_cast %parallel_loop3A_514 : i32 to index
        %parallel_loop3A_516 = arith.constant 16 : index
        %parallel_loop3A_517 = tpu.vector_load %arg6[%parallel_loop3A_515, %parallel_loop3A_516] {strides = array<i32>} : memref<1024x64xf32, #tpu.memory_space<vmem>>, vector<16xf32>,
        tpu.vector_store_idx %arg7[%shift_right_logical3A_14, %broadcast_in_dim3A_3, %and3A_37, %parallel_loop3A_509], %parallel_loop3A_517 : memref<8x1x8x129xf32, #tpu.memory_space<vmem>>[vector<16xi32>, vector<16xi32>, vector<16xi32>, vector<16xi32>], vector<16xf32>,
        %parallel_loop3A_518 = arith.addi %mul3A_379, %parallel_loop3A_505 : i32
        %parallel_loop3A_519 = arith.index_cast %parallel_loop3A_518 : i32 to index
        %parallel_loop3A_520 = arith.constant 32 : index
        %parallel_loop3A_521 = tpu.vector_load %arg6[%parallel_loop3A_519, %parallel_loop3A_520] {strides = array<i32>} : memref<1024x64xf32, #tpu.memory_space<vmem>>, vector<16xf32>,
        tpu.vector_store_idx %arg7[%shift_right_logical3A_20, %broadcast_in_dim3A_3, %and3A_43, %parallel_loop3A_509], %parallel_loop3A_521 : memref<8x1x8x129xf32, #tpu.memory_space<vmem>>[vector<16xi32>, vector<16xi32>, vector<16xi32>, vector<16xi32>], vector<16xf32>,
        %parallel_loop3A_522 = arith.addi %mul3A_379, %parallel_loop3A_505 : i32
        %parallel_loop3A_523 = arith.index_cast %parallel_loop3A_522 : i32 to index
        %parallel_loop3A_524 = arith.constant 48 : index
        %parallel_loop3A_525 = tpu.vector_load %arg6[%parallel_loop3A_523, %parallel_loop3A_524] {strides = array<i32>} : memref<1024x64xf32, #tpu.memory_space<vmem>>, vector<16xf32>,
        tpu.vector_store_idx %arg7[%shift_right_logical3A_26, %broadcast_in_dim3A_3, %and3A_49, %parallel_loop3A_509], %parallel_loop3A_525 : memref<8x1x8x129xf32, #tpu.memory_space<vmem>>[vector<16xi32>, vector<16xi32>, vector<16xi32>, vector<16xi32>], vector<16xf32>,
      } {sc.loop_unroll_factor = 8 : i64, sc.parallel_access}
      %add3A_398 = arith.addi %mul3A_2, %add3A_375 : i32
      %shift_right_logical3A_399 = arith.constant 7 : i32
      %shift_right_logical3A_400 = arith.shrui %add3A_398, %shift_right_logical3A_399 : i32
      %and3A_401 = arith.constant 127 : i32
      %and3A_402 = arith.andi %add3A_398, %and3A_401 : i32
      %dma_start3A_403 = arith.constant 0 : i32
      %dma_start3A_404 = arith.constant 0 : i32
      %dma_start3A_405 = arith.constant 0 : i32
      %dma_start3A_406 = arith.constant 0 : i32
      %dma_start3A_407 = tpu.memref_slice %arg7[%dma_start3A_403, %dma_start3A_404, %dma_start3A_405, %dma_start3A_406] : memref<8x1x8x129xf32, #tpu.memory_space<vmem>> -> memref<8x1x8x128xf32, #tpu.memory_space<vmem>>
      %dma_start3A_408 = arith.constant 0 : i32
      %dma_start3A_409 = arith.constant 0 : i32
      %dma_start3A_410 = arith.constant 0 : i32
      %dma_start3A_411 = tpu.memref_slice %arg4[%shift_right_logical3A_400, %dma_start3A_408, %and3A_402, %dma_start3A_409, %dma_start3A_410] : memref<50x8x128x8x128xf32, #tpu.memory_space<hbm>> -> memref<1x8x1x8x128xf32, #tpu.memory_space<hbm>>
      %dma_start3A_412 = tpu.memref_squeeze %dma_start3A_411 : memref<1x8x1x8x128xf32, #tpu.memory_space<hbm>> -> memref<8x1x8x128xf32, #tpu.memory_space<hbm>>
      %dma_start3A_413 = arith.constant 0 : i32
      %dma_start3A_414 = arith.constant 0 : i32
      %dma_start3A_415 = arith.constant 0 : i32
      %dma_start3A_416 = tpu.memref_slice %arg4[%shift_right_logical3A_400, %dma_start3A_413, %and3A_402, %dma_start3A_414, %dma_start3A_415] : memref<50x8x128x8x128xf32, #tpu.memory_space<hbm>> -> memref<1x8x1x8x128xf32, #tpu.memory_space<hbm>>
      %dma_start3A_417 = tpu.memref_squeeze %dma_start3A_416 : memref<1x8x1x8x128xf32, #tpu.memory_space<hbm>> -> memref<8x1x8x128xf32, #tpu.memory_space<hbm>>
      %dma_start3A_418 = arith.constant 0 : i32
      %dma_start3A_419 = arith.constant 0 : i32
      %dma_start3A_420 = arith.constant 0 : i32
      %dma_start3A_421 = arith.constant 0 : i32
      %dma_start3A_422 = tpu.memref_slice %arg7[%dma_start3A_418, %dma_start3A_419, %dma_start3A_420, %dma_start3A_421] : memref<8x1x8x129xf32, #tpu.memory_space<vmem>> -> memref<8x1x8x128xf32, #tpu.memory_space<vmem>>
      tpu.enqueue_dma source(%dma_start3A_422 : memref<8x1x8x128xf32, #tpu.memory_space<vmem>>) target(%dma_start3A_417 : memref<8x1x8x128xf32, #tpu.memory_space<hbm>>) target_semaphore(%arg11 : memref<!tpu.dma_semaphore, #tpu.memory_space<semaphore_mem>>)
      %add3A_423 = arith.constant 4 : i32
      %add3A_424 = arith.addi %add3A_375, %add3A_423 : i32
      %lt3A = arith.constant 200 : i32
      %lt3A_425 = arith.cmpi slt, %add3A_424, %lt3A : i32
      %convert_element_type3A_426 = arith.extui %lt3A_425 : i1 to i32
      %cond3A_427 = arith.constant 0 : i32
      %cond3A_428 = arith.cmpi ne, %convert_element_type3A_426, %cond3A_427 : i32
      scf.if %cond3A_428 {
        %add3A_505 = arith.constant 4 : i32
        %add3A_506 = arith.addi %add3A_375, %add3A_505 : i32
        %rem3A_507 = arith.constant 8 : i32
        %rem3A_508 = arith.remsi %add3A_506, %rem3A_507 : i32
        %add3A_509 = arith.addi %mul3A_2, %add3A_506 : i32
        %shift_right_logical3A_510 = arith.constant 7 : i32
        %shift_right_logical3A_511 = arith.shrui %add3A_509, %shift_right_logical3A_510 : i32
        %and3A_512 = arith.constant 127 : i32
        %and3A_513 = arith.andi %add3A_509, %and3A_512 : i32
        %dma_wait3A_514 = arith.constant 0 : i32
        %dma_wait3A_515 = tpu.memref_slice %arg5[%rem3A_508, %dma_wait3A_514] : memref<8x128xi32, #tpu.memory_space<vmem>> -> memref<1x128xi32, #tpu.memory_space<vmem>>
        %dma_wait3A_516 = tpu.memref_squeeze %dma_wait3A_515 : memref<1x128xi32, #tpu.memory_space<vmem>> -> memref<128xi32, #tpu.memory_space<vmem>>
        %dma_wait3A_517 = arith.constant 0 : i32
        %dma_wait3A_518 = tpu.memref_slice %arg3[%shift_right_logical3A_511, %and3A_513, %dma_wait3A_517] : memref<50x128x128xi32, #tpu.memory_space<hbm>> -> memref<1x1x128xi32, #tpu.memory_space<hbm>>
        %dma_wait3A_519 = tpu.memref_squeeze %dma_wait3A_518 : memref<1x1x128xi32, #tpu.memory_space<hbm>> -> memref<128xi32, #tpu.memory_space<hbm>>
        %dma_wait3A_520 = tpu.memref_slice %arg9[%rem3A_508] : memref<8x!tpu.dma_semaphore, #tpu.memory_space<semaphore_mem>> -> memref<1x!tpu.dma_semaphore, #tpu.memory_space<semaphore_mem>>
        %dma_wait3A_521 = tpu.memref_squeeze %dma_wait3A_520 : memref<1x!tpu.dma_semaphore, #tpu.memory_space<semaphore_mem>> -> memref<!tpu.dma_semaphore, #tpu.memory_space<semaphore_mem>>
        %dma_wait3A_522 = arith.constant 0 : i32
        %dma_wait3A_523 = tpu.memref_slice %arg5[%rem3A_508, %dma_wait3A_522] : memref<8x128xi32, #tpu.memory_space<vmem>> -> memref<1x128xi32, #tpu.memory_space<vmem>>
        %dma_wait3A_524 = tpu.memref_squeeze %dma_wait3A_523 : memref<1x128xi32, #tpu.memory_space<vmem>> -> memref<128xi32, #tpu.memory_space<vmem>>
        %dma_wait3A_525 = arith.constant 0 : i32
        %dma_wait3A_526 = tpu.memref_slice %arg3[%shift_right_logical3A_511, %and3A_513, %dma_wait3A_525] : memref<50x128x128xi32, #tpu.memory_space<hbm>> -> memref<1x1x128xi32, #tpu.memory_space<hbm>>
        %dma_wait3A_527 = tpu.memref_squeeze %dma_wait3A_526 : memref<1x1x128xi32, #tpu.memory_space<hbm>> -> memref<128xi32, #tpu.memory_space<hbm>>
        tpu.wait_dma2 semaphore(%dma_wait3A_521 : memref<!tpu.dma_semaphore, #tpu.memory_space<semaphore_mem>>) src(%dma_wait3A_527 : memref<128xi32, #tpu.memory_space<hbm>>) dst(%dma_wait3A_524 : memref<128xi32, #tpu.memory_space<vmem>>)
        %add3A_528 = arith.constant 4 : i32
        %add3A_529 = arith.addi %add3A_375, %add3A_528 : i32
        %rem3A_530 = arith.constant 8 : i32
        %rem3A_531 = arith.remsi %add3A_529, %rem3A_530 : i32
        %mul3A_532 = arith.constant 128 : i32
        %mul3A_533 = arith.muli %rem3A_531, %mul3A_532 : i32
        %dma_start3A_534 = arith.constant 0 : i32
        %dma_start3A_535 = tpu.memref_slice %arg6[%mul3A_533, %dma_start3A_534] : memref<1024x64xf32, #tpu.memory_space<vmem>> -> memref<128x64xf32, #tpu.memory_space<vmem>>
        %dma_start3A_536 = arith.constant 0 : i32
        %dma_start3A_537 = tpu.memref_slice %arg5[%rem3A_531, %dma_start3A_536] : memref<8x128xi32, #tpu.memory_space<vmem>> -> memref<1x128xi32, #tpu.memory_space<vmem>>
        %dma_start3A_538 = tpu.memref_squeeze %dma_start3A_537 : memref<1x128xi32, #tpu.memory_space<vmem>> -> memref<128xi32, #tpu.memory_space<vmem>>
        %dma_start3A_539 = arith.constant 0 : i32
        %dma_start3A_540 = arith.constant 0 : i32
        %dma_start3A_541 = tpu.memref_slice %arg2[%dma_start3A_539, %dma_start3A_540] : memref<1000000x64xf32, #tpu.memory_space<hbm>> -> memref<1000000x64xf32, #tpu.memory_space<hbm>>
        %dma_start3A_542 = tpu.memref_slice %arg10[%rem3A_531] : memref<8x!tpu.dma_semaphore, #tpu.memory_space<semaphore_mem>> -> memref<1x!tpu.dma_semaphore, #tpu.memory_space<semaphore_mem>>
        %dma_start3A_543 = tpu.memref_squeeze %dma_start3A_542 : memref<1x!tpu.dma_semaphore, #tpu.memory_space<semaphore_mem>> -> memref<!tpu.dma_semaphore, #tpu.memory_space<semaphore_mem>>
        tpu.enqueue_indirect_dma source(%dma_start3A_541 : memref<1000000x64xf32, #tpu.memory_space<hbm>>) target(%dma_start3A_535 : memref<128x64xf32, #tpu.memory_space<vmem>>) offsets(%dma_start3A_538 : memref<128xi32, #tpu.memory_space<vmem>>) semaphore(%dma_start3A_543 : memref<!tpu.dma_semaphore, #tpu.memory_space<semaphore_mem>>)
      } else {
      }
      %add3A_429 = arith.constant 5 : i32
      %add3A_430 = arith.addi %add3A_375, %add3A_429 : i32
      %lt3A_431 = arith.constant 200 : i32
      %lt3A_432 = arith.cmpi slt, %add3A_430, %lt3A_431 : i32
      %convert_element_type3A_433 = arith.extui %lt3A_432 : i1 to i32
      %cond3A_434 = arith.constant 0 : i32
      %cond3A_435 = arith.cmpi ne, %convert_element_type3A_433, %cond3A_434 : i32
      scf.if %cond3A_435 {
        %add3A_505 = arith.constant 5 : i32
        %add3A_506 = arith.addi %add3A_375, %add3A_505 : i32
        %rem3A_507 = arith.constant 8 : i32
        %rem3A_508 = arith.remsi %add3A_506, %rem3A_507 : i32
        %add3A_509 = arith.addi %mul3A_2, %add3A_506 : i32
        %shift_right_logical3A_510 = arith.constant 7 : i32
        %shift_right_logical3A_511 = arith.shrui %add3A_509, %shift_right_logical3A_510 : i32
        %and3A_512 = arith.constant 127 : i32
        %and3A_513 = arith.andi %add3A_509, %and3A_512 : i32
        %dma_start3A_514 = arith.constant 0 : i32
        %dma_start3A_515 = tpu.memref_slice %arg5[%rem3A_508, %dma_start3A_514] : memref<8x128xi32, #tpu.memory_space<vmem>> -> memref<1x128xi32, #tpu.memory_space<vmem>>
        %dma_start3A_516 = tpu.memref_squeeze %dma_start3A_515 : memref<1x128xi32, #tpu.memory_space<vmem>> -> memref<128xi32, #tpu.memory_space<vmem>>
        %dma_start3A_517 = arith.constant 0 : i32
        %dma_start3A_518 = tpu.memref_slice %arg3[%shift_right_logical3A_511, %and3A_513, %dma_start3A_517] : memref<50x128x128xi32, #tpu.memory_space<hbm>> -> memref<1x1x128xi32, #tpu.memory_space<hbm>>
        %dma_start3A_519 = tpu.memref_squeeze %dma_start3A_518 : memref<1x1x128xi32, #tpu.memory_space<hbm>> -> memref<128xi32, #tpu.memory_space<hbm>>
        %dma_start3A_520 = tpu.memref_slice %arg9[%rem3A_508] : memref<8x!tpu.dma_semaphore, #tpu.memory_space<semaphore_mem>> -> memref<1x!tpu.dma_semaphore, #tpu.memory_space<semaphore_mem>>
        %dma_start3A_521 = tpu.memref_squeeze %dma_start3A_520 : memref<1x!tpu.dma_semaphore, #tpu.memory_space<semaphore_mem>> -> memref<!tpu.dma_semaphore, #tpu.memory_space<semaphore_mem>>
        %dma_start3A_522 = arith.constant 0 : i32
        %dma_start3A_523 = tpu.memref_slice %arg5[%rem3A_508, %dma_start3A_522] : memref<8x128xi32, #tpu.memory_space<vmem>> -> memref<1x128xi32, #tpu.memory_space<vmem>>
        %dma_start3A_524 = tpu.memref_squeeze %dma_start3A_523 : memref<1x128xi32, #tpu.memory_space<vmem>> -> memref<128xi32, #tpu.memory_space<vmem>>
        %dma_start3A_525 = arith.constant 0 : i32
        %dma_start3A_526 = tpu.memref_slice %arg3[%shift_right_logical3A_511, %and3A_513, %dma_start3A_525] : memref<50x128x128xi32, #tpu.memory_space<hbm>> -> memref<1x1x128xi32, #tpu.memory_space<hbm>>
        %dma_start3A_527 = tpu.memref_squeeze %dma_start3A_526 : memref<1x1x128xi32, #tpu.memory_space<hbm>> -> memref<128xi32, #tpu.memory_space<hbm>>
        tpu.enqueue_dma source(%dma_start3A_527 : memref<128xi32, #tpu.memory_space<hbm>>) target(%dma_start3A_524 : memref<128xi32, #tpu.memory_space<vmem>>) target_semaphore(%dma_start3A_521 : memref<!tpu.dma_semaphore, #tpu.memory_space<semaphore_mem>>)
      } else {
      }
      %mul3A_436 = arith.constant 2 : i32
      %mul3A_437 = arith.muli %mul3A_436, %scan3A_371 : i32
      %add3A_438 = arith.constant 1 : i32
      %add3A_439 = arith.addi %mul3A_437, %add3A_438 : i32
      %rem3A_440 = arith.constant 8 : i32
      %rem3A_441 = arith.remsi %add3A_439, %rem3A_440 : i32
      %mul3A_442 = arith.constant 128 : i32
      %mul3A_443 = arith.muli %rem3A_441, %mul3A_442 : i32
      %rem3A_444 = arith.constant 8 : i32
      %rem3A_445 = arith.remsi %add3A_439, %rem3A_444 : i32
      %mul3A_446 = arith.constant 128 : i32
      %mul3A_447 = arith.muli %rem3A_445, %mul3A_446 : i32
      %dma_wait3A_448 = arith.constant 0 : i32
      %dma_wait3A_449 = tpu.memref_slice %arg6[%mul3A_447, %dma_wait3A_448] : memref<1024x64xf32, #tpu.memory_space<vmem>> -> memref<128x64xf32, #tpu.memory_space<vmem>>
      %dma_wait3A_450 = arith.constant 0 : i32
      %dma_wait3A_451 = tpu.memref_slice %arg5[%rem3A_445, %dma_wait3A_450] : memref<8x128xi32, #tpu.memory_space<vmem>> -> memref<1x128xi32, #tpu.memory_space<vmem>>
      %dma_wait3A_452 = tpu.memref_squeeze %dma_wait3A_451 : memref<1x128xi32, #tpu.memory_space<vmem>> -> memref<128xi32, #tpu.memory_space<vmem>>
      %dma_wait3A_453 = arith.constant 0 : i32
      %dma_wait3A_454 = arith.constant 0 : i32
      %dma_wait3A_455 = tpu.memref_slice %arg2[%dma_wait3A_453, %dma_wait3A_454] : memref<1000000x64xf32, #tpu.memory_space<hbm>> -> memref<1000000x64xf32, #tpu.memory_space<hbm>>
      %dma_wait3A_456 = tpu.memref_slice %arg10[%rem3A_445] : memref<8x!tpu.dma_semaphore, #tpu.memory_space<semaphore_mem>> -> memref<1x!tpu.dma_semaphore, #tpu.memory_space<semaphore_mem>>
      %dma_wait3A_457 = tpu.memref_squeeze %dma_wait3A_456 : memref<1x!tpu.dma_semaphore, #tpu.memory_space<semaphore_mem>> -> memref<!tpu.dma_semaphore, #tpu.memory_space<semaphore_mem>>
      tpu.wait_indirect_dma semaphore(%dma_wait3A_457 : memref<!tpu.dma_semaphore, #tpu.memory_space<semaphore_mem>>) src(%dma_wait3A_455 : memref<1000000x64xf32, #tpu.memory_space<hbm>>) dst(%dma_wait3A_449 : memref<128x64xf32, #tpu.memory_space<vmem>>)
      %ge3A_458 = arith.constant 1 : i32
      %ge3A_459 = arith.cmpi sge, %scan3A_371, %ge3A_458 : i32
      %convert_element_type3A_460 = arith.extui %ge3A_459 : i1 to i32
      %cond3A_461 = arith.constant 0 : i32
      %cond3A_462 = arith.cmpi ne, %convert_element_type3A_460, %cond3A_461 : i32
      scf.if %cond3A_462 {
        %sub3A = arith.constant 2 : i32
        %sub3A_505 = arith.subi %add3A_439, %sub3A : i32
        %add3A_506 = arith.addi %mul3A_2, %sub3A_505 : i32
        %shift_right_logical3A_507 = arith.constant 7 : i32
        %shift_right_logical3A_508 = arith.shrui %add3A_506, %shift_right_logical3A_507 : i32
        %and3A_509 = arith.constant 127 : i32
        %and3A_510 = arith.andi %add3A_506, %and3A_509 : i32
        %dma_wait3A_511 = arith.constant 0 : i32
        %dma_wait3A_512 = arith.constant 0 : i32
        %dma_wait3A_513 = arith.constant 0 : i32
        %dma_wait3A_514 = arith.constant 0 : i32
        %dma_wait3A_515 = tpu.memref_slice %arg8[%dma_wait3A_511, %dma_wait3A_512, %dma_wait3A_513, %dma_wait3A_514] : memref<8x1x8x129xf32, #tpu.memory_space<vmem>> -> memref<8x1x8x128xf32, #tpu.memory_space<vmem>>
        %dma_wait3A_516 = arith.constant 0 : i32
        %dma_wait3A_517 = arith.constant 0 : i32
        %dma_wait3A_518 = arith.constant 0 : i32
        %dma_wait3A_519 = tpu.memref_slice %arg4[%shift_right_logical3A_508, %dma_wait3A_516, %and3A_510, %dma_wait3A_517, %dma_wait3A_518] : memref<50x8x128x8x128xf32, #tpu.memory_space<hbm>> -> memref<1x8x1x8x128xf32, #tpu.memory_space<hbm>>
        %dma_wait3A_520 = tpu.memref_squeeze %dma_wait3A_519 : memref<1x8x1x8x128xf32, #tpu.memory_space<hbm>> -> memref<8x1x8x128xf32, #tpu.memory_space<hbm>>
        %dma_wait3A_521 = arith.constant 0 : i32
        %dma_wait3A_522 = arith.constant 0 : i32
        %dma_wait3A_523 = arith.constant 0 : i32
        %dma_wait3A_524 = tpu.memref_slice %arg4[%shift_right_logical3A_508, %dma_wait3A_521, %and3A_510, %dma_wait3A_522, %dma_wait3A_523] : memref<50x8x128x8x128xf32, #tpu.memory_space<hbm>> -> memref<1x8x1x8x128xf32, #tpu.memory_space<hbm>>
        %dma_wait3A_525 = tpu.memref_squeeze %dma_wait3A_524 : memref<1x8x1x8x128xf32, #tpu.memory_space<hbm>> -> memref<8x1x8x128xf32, #tpu.memory_space<hbm>>
        %dma_wait3A_526 = arith.constant 0 : i32
        %dma_wait3A_527 = arith.constant 0 : i32
        %dma_wait3A_528 = arith.constant 0 : i32
        %dma_wait3A_529 = arith.constant 0 : i32
        %dma_wait3A_530 = tpu.memref_slice %arg8[%dma_wait3A_526, %dma_wait3A_527, %dma_wait3A_528, %dma_wait3A_529] : memref<8x1x8x129xf32, #tpu.memory_space<vmem>> -> memref<8x1x8x128xf32, #tpu.memory_space<vmem>>
        tpu.wait_dma2 semaphore(%arg12 : memref<!tpu.dma_semaphore, #tpu.memory_space<semaphore_mem>>) src(%dma_wait3A_530 : memref<8x1x8x128xf32, #tpu.memory_space<vmem>>) dst(%dma_wait3A_525 : memref<8x1x8x128xf32, #tpu.memory_space<hbm>>)
      } else {
      }
      %parallel_loop3A_463 = arith.constant 0 : i32
      %parallel_loop3A_464 = arith.constant 128 : i32
      %parallel_loop3A_465 = arith.constant 1 : i32
      scf.for %parallel_loop3A_505 = %parallel_loop3A_463 to %parallel_loop3A_464 step %parallel_loop3A_465  : i32 {
        %parallel_loop3A_506 = arith.constant 0 : i32
        %parallel_loop3A_507 = vector.broadcast %parallel_loop3A_506 : i32 to vector<16xi32>
        %parallel_loop3A_508 = vector.broadcast %parallel_loop3A_505 : i32 to vector<16xi32>
        %parallel_loop3A_509 = arith.addi %parallel_loop3A_507, %parallel_loop3A_508 : vector<16xi32>
        %parallel_loop3A_510 = arith.addi %mul3A_443, %parallel_loop3A_505 : i32
        %parallel_loop3A_511 = arith.index_cast %parallel_loop3A_510 : i32 to index
        %parallel_loop3A_512 = arith.constant 0 : index
        %parallel_loop3A_513 = tpu.vector_load %arg6[%parallel_loop3A_511, %parallel_loop3A_512] {strides = array<i32>} : memref<1024x64xf32, #tpu.memory_space<vmem>>, vector<16xf32>,
        tpu.vector_store_idx %arg8[%shift_right_logical3A_8, %broadcast_in_dim3A_3, %and3A_31, %parallel_loop3A_509], %parallel_loop3A_513 : memref<8x1x8x129xf32, #tpu.memory_space<vmem>>[vector<16xi32>, vector<16xi32>, vector<16xi32>, vector<16xi32>], vector<16xf32>,
        %parallel_loop3A_514 = arith.addi %mul3A_443, %parallel_loop3A_505 : i32
        %parallel_loop3A_515 = arith.index_cast %parallel_loop3A_514 : i32 to index
        %parallel_loop3A_516 = arith.constant 16 : index
        %parallel_loop3A_517 = tpu.vector_load %arg6[%parallel_loop3A_515, %parallel_loop3A_516] {strides = array<i32>} : memref<1024x64xf32, #tpu.memory_space<vmem>>, vector<16xf32>,
        tpu.vector_store_idx %arg8[%shift_right_logical3A_14, %broadcast_in_dim3A_3, %and3A_37, %parallel_loop3A_509], %parallel_loop3A_517 : memref<8x1x8x129xf32, #tpu.memory_space<vmem>>[vector<16xi32>, vector<16xi32>, vector<16xi32>, vector<16xi32>], vector<16xf32>,
        %parallel_loop3A_518 = arith.addi %mul3A_443, %parallel_loop3A_505 : i32
        %parallel_loop3A_519 = arith.index_cast %parallel_loop3A_518 : i32 to index
        %parallel_loop3A_520 = arith.constant 32 : index
        %parallel_loop3A_521 = tpu.vector_load %arg6[%parallel_loop3A_519, %parallel_loop3A_520] {strides = array<i32>} : memref<1024x64xf32, #tpu.memory_space<vmem>>, vector<16xf32>,
        tpu.vector_store_idx %arg8[%shift_right_logical3A_20, %broadcast_in_dim3A_3, %and3A_43, %parallel_loop3A_509], %parallel_loop3A_521 : memref<8x1x8x129xf32, #tpu.memory_space<vmem>>[vector<16xi32>, vector<16xi32>, vector<16xi32>, vector<16xi32>], vector<16xf32>,
        %parallel_loop3A_522 = arith.addi %mul3A_443, %parallel_loop3A_505 : i32
        %parallel_loop3A_523 = arith.index_cast %parallel_loop3A_522 : i32 to index
        %parallel_loop3A_524 = arith.constant 48 : index
        %parallel_loop3A_525 = tpu.vector_load %arg6[%parallel_loop3A_523, %parallel_loop3A_524] {strides = array<i32>} : memref<1024x64xf32, #tpu.memory_space<vmem>>, vector<16xf32>,
        tpu.vector_store_idx %arg8[%shift_right_logical3A_26, %broadcast_in_dim3A_3, %and3A_49, %parallel_loop3A_509], %parallel_loop3A_525 : memref<8x1x8x129xf32, #tpu.memory_space<vmem>>[vector<16xi32>, vector<16xi32>, vector<16xi32>, vector<16xi32>], vector<16xf32>,
      } {sc.loop_unroll_factor = 8 : i64, sc.parallel_access}
      %add3A_466 = arith.addi %mul3A_2, %add3A_439 : i32
      %shift_right_logical3A_467 = arith.constant 7 : i32
      %shift_right_logical3A_468 = arith.shrui %add3A_466, %shift_right_logical3A_467 : i32
      %and3A_469 = arith.constant 127 : i32
      %and3A_470 = arith.andi %add3A_466, %and3A_469 : i32
      %dma_start3A_471 = arith.constant 0 : i32
      %dma_start3A_472 = arith.constant 0 : i32
      %dma_start3A_473 = arith.constant 0 : i32
      %dma_start3A_474 = arith.constant 0 : i32
      %dma_start3A_475 = tpu.memref_slice %arg8[%dma_start3A_471, %dma_start3A_472, %dma_start3A_473, %dma_start3A_474] : memref<8x1x8x129xf32, #tpu.memory_space<vmem>> -> memref<8x1x8x128xf32, #tpu.memory_space<vmem>>
      %dma_start3A_476 = arith.constant 0 : i32
      %dma_start3A_477 = arith.constant 0 : i32
      %dma_start3A_478 = arith.constant 0 : i32
      %dma_start3A_479 = tpu.memref_slice %arg4[%shift_right_logical3A_468, %dma_start3A_476, %and3A_470, %dma_start3A_477, %dma_start3A_478] : memref<50x8x128x8x128xf32, #tpu.memory_space<hbm>> -> memref<1x8x1x8x128xf32, #tpu.memory_space<hbm>>
      %dma_start3A_480 = tpu.memref_squeeze %dma_start3A_479 : memref<1x8x1x8x128xf32, #tpu.memory_space<hbm>> -> memref<8x1x8x128xf32, #tpu.memory_space<hbm>>
      %dma_start3A_481 = arith.constant 0 : i32
      %dma_start3A_482 = arith.constant 0 : i32
      %dma_start3A_483 = arith.constant 0 : i32
      %dma_start3A_484 = tpu.memref_slice %arg4[%shift_right_logical3A_468, %dma_start3A_481, %and3A_470, %dma_start3A_482, %dma_start3A_483] : memref<50x8x128x8x128xf32, #tpu.memory_space<hbm>> -> memref<1x8x1x8x128xf32, #tpu.memory_space<hbm>>
      %dma_start3A_485 = tpu.memref_squeeze %dma_start3A_484 : memref<1x8x1x8x128xf32, #tpu.memory_space<hbm>> -> memref<8x1x8x128xf32, #tpu.memory_space<hbm>>
      %dma_start3A_486 = arith.constant 0 : i32
      %dma_start3A_487 = arith.constant 0 : i32
      %dma_start3A_488 = arith.constant 0 : i32
      %dma_start3A_489 = arith.constant 0 : i32
      %dma_start3A_490 = tpu.memref_slice %arg8[%dma_start3A_486, %dma_start3A_487, %dma_start3A_488, %dma_start3A_489] : memref<8x1x8x129xf32, #tpu.memory_space<vmem>> -> memref<8x1x8x128xf32, #tpu.memory_space<vmem>>
      tpu.enqueue_dma source(%dma_start3A_490 : memref<8x1x8x128xf32, #tpu.memory_space<vmem>>) target(%dma_start3A_485 : memref<8x1x8x128xf32, #tpu.memory_space<hbm>>) target_semaphore(%arg12 : memref<!tpu.dma_semaphore, #tpu.memory_space<semaphore_mem>>)
      %add3A_491 = arith.constant 4 : i32
      %add3A_492 = arith.addi %add3A_439, %add3A_491 : i32
      %lt3A_493 = arith.constant 200 : i32
      %lt3A_494 = arith.cmpi slt, %add3A_492, %lt3A_493 : i32
      %convert_element_type3A_495 = arith.extui %lt3A_494 : i1 to i32
      %cond3A_496 = arith.constant 0 : i32
      %cond3A_497 = arith.cmpi ne, %convert_element_type3A_495, %cond3A_496 : i32
      scf.if %cond3A_497 {
        %add3A_505 = arith.constant 4 : i32
        %add3A_506 = arith.addi %add3A_439, %add3A_505 : i32
        %rem3A_507 = arith.constant 8 : i32
        %rem3A_508 = arith.remsi %add3A_506, %rem3A_507 : i32
        %add3A_509 = arith.addi %mul3A_2, %add3A_506 : i32
        %shift_right_logical3A_510 = arith.constant 7 : i32
        %shift_right_logical3A_511 = arith.shrui %add3A_509, %shift_right_logical3A_510 : i32
        %and3A_512 = arith.constant 127 : i32
        %and3A_513 = arith.andi %add3A_509, %and3A_512 : i32
        %dma_wait3A_514 = arith.constant 0 : i32
        %dma_wait3A_515 = tpu.memref_slice %arg5[%rem3A_508, %dma_wait3A_514] : memref<8x128xi32, #tpu.memory_space<vmem>> -> memref<1x128xi32, #tpu.memory_space<vmem>>
        %dma_wait3A_516 = tpu.memref_squeeze %dma_wait3A_515 : memref<1x128xi32, #tpu.memory_space<vmem>> -> memref<128xi32, #tpu.memory_space<vmem>>
        %dma_wait3A_517 = arith.constant 0 : i32
        %dma_wait3A_518 = tpu.memref_slice %arg3[%shift_right_logical3A_511, %and3A_513, %dma_wait3A_517] : memref<50x128x128xi32, #tpu.memory_space<hbm>> -> memref<1x1x128xi32, #tpu.memory_space<hbm>>
        %dma_wait3A_519 = tpu.memref_squeeze %dma_wait3A_518 : memref<1x1x128xi32, #tpu.memory_space<hbm>> -> memref<128xi32, #tpu.memory_space<hbm>>
        %dma_wait3A_520 = tpu.memref_slice %arg9[%rem3A_508] : memref<8x!tpu.dma_semaphore, #tpu.memory_space<semaphore_mem>> -> memref<1x!tpu.dma_semaphore, #tpu.memory_space<semaphore_mem>>
        %dma_wait3A_521 = tpu.memref_squeeze %dma_wait3A_520 : memref<1x!tpu.dma_semaphore, #tpu.memory_space<semaphore_mem>> -> memref<!tpu.dma_semaphore, #tpu.memory_space<semaphore_mem>>
        %dma_wait3A_522 = arith.constant 0 : i32
        %dma_wait3A_523 = tpu.memref_slice %arg5[%rem3A_508, %dma_wait3A_522] : memref<8x128xi32, #tpu.memory_space<vmem>> -> memref<1x128xi32, #tpu.memory_space<vmem>>
        %dma_wait3A_524 = tpu.memref_squeeze %dma_wait3A_523 : memref<1x128xi32, #tpu.memory_space<vmem>> -> memref<128xi32, #tpu.memory_space<vmem>>
        %dma_wait3A_525 = arith.constant 0 : i32
        %dma_wait3A_526 = tpu.memref_slice %arg3[%shift_right_logical3A_511, %and3A_513, %dma_wait3A_525] : memref<50x128x128xi32, #tpu.memory_space<hbm>> -> memref<1x1x128xi32, #tpu.memory_space<hbm>>
        %dma_wait3A_527 = tpu.memref_squeeze %dma_wait3A_526 : memref<1x1x128xi32, #tpu.memory_space<hbm>> -> memref<128xi32, #tpu.memory_space<hbm>>
        tpu.wait_dma2 semaphore(%dma_wait3A_521 : memref<!tpu.dma_semaphore, #tpu.memory_space<semaphore_mem>>) src(%dma_wait3A_527 : memref<128xi32, #tpu.memory_space<hbm>>) dst(%dma_wait3A_524 : memref<128xi32, #tpu.memory_space<vmem>>)
        %add3A_528 = arith.constant 4 : i32
        %add3A_529 = arith.addi %add3A_439, %add3A_528 : i32
        %rem3A_530 = arith.constant 8 : i32
        %rem3A_531 = arith.remsi %add3A_529, %rem3A_530 : i32
        %mul3A_532 = arith.constant 128 : i32
        %mul3A_533 = arith.muli %rem3A_531, %mul3A_532 : i32
        %dma_start3A_534 = arith.constant 0 : i32
        %dma_start3A_535 = tpu.memref_slice %arg6[%mul3A_533, %dma_start3A_534] : memref<1024x64xf32, #tpu.memory_space<vmem>> -> memref<128x64xf32, #tpu.memory_space<vmem>>
        %dma_start3A_536 = arith.constant 0 : i32
        %dma_start3A_537 = tpu.memref_slice %arg5[%rem3A_531, %dma_start3A_536] : memref<8x128xi32, #tpu.memory_space<vmem>> -> memref<1x128xi32, #tpu.memory_space<vmem>>
        %dma_start3A_538 = tpu.memref_squeeze %dma_start3A_537 : memref<1x128xi32, #tpu.memory_space<vmem>> -> memref<128xi32, #tpu.memory_space<vmem>>
        %dma_start3A_539 = arith.constant 0 : i32
        %dma_start3A_540 = arith.constant 0 : i32
        %dma_start3A_541 = tpu.memref_slice %arg2[%dma_start3A_539, %dma_start3A_540] : memref<1000000x64xf32, #tpu.memory_space<hbm>> -> memref<1000000x64xf32, #tpu.memory_space<hbm>>
        %dma_start3A_542 = tpu.memref_slice %arg10[%rem3A_531] : memref<8x!tpu.dma_semaphore, #tpu.memory_space<semaphore_mem>> -> memref<1x!tpu.dma_semaphore, #tpu.memory_space<semaphore_mem>>
        %dma_start3A_543 = tpu.memref_squeeze %dma_start3A_542 : memref<1x!tpu.dma_semaphore, #tpu.memory_space<semaphore_mem>> -> memref<!tpu.dma_semaphore, #tpu.memory_space<semaphore_mem>>
        tpu.enqueue_indirect_dma source(%dma_start3A_541 : memref<1000000x64xf32, #tpu.memory_space<hbm>>) target(%dma_start3A_535 : memref<128x64xf32, #tpu.memory_space<vmem>>) offsets(%dma_start3A_538 : memref<128xi32, #tpu.memory_space<vmem>>) semaphore(%dma_start3A_543 : memref<!tpu.dma_semaphore, #tpu.memory_space<semaphore_mem>>)
      } else {
      }
      %add3A_498 = arith.constant 5 : i32
      %add3A_499 = arith.addi %add3A_439, %add3A_498 : i32
      %lt3A_500 = arith.constant 200 : i32
      %lt3A_501 = arith.cmpi slt, %add3A_499, %lt3A_500 : i32
      %convert_element_type3A_502 = arith.extui %lt3A_501 : i1 to i32
      %cond3A_503 = arith.constant 0 : i32
      %cond3A_504 = arith.cmpi ne, %convert_element_type3A_502, %cond3A_503 : i32
      scf.if %cond3A_504 {
        %add3A_505 = arith.constant 5 : i32
        %add3A_506 = arith.addi %add3A_439, %add3A_505 : i32
        %rem3A_507 = arith.constant 8 : i32
        %rem3A_508 = arith.remsi %add3A_506, %rem3A_507 : i32
        %add3A_509 = arith.addi %mul3A_2, %add3A_506 : i32
        %shift_right_logical3A_510 = arith.constant 7 : i32
        %shift_right_logical3A_511 = arith.shrui %add3A_509, %shift_right_logical3A_510 : i32
        %and3A_512 = arith.constant 127 : i32
        %and3A_513 = arith.andi %add3A_509, %and3A_512 : i32
        %dma_start3A_514 = arith.constant 0 : i32
        %dma_start3A_515 = tpu.memref_slice %arg5[%rem3A_508, %dma_start3A_514] : memref<8x128xi32, #tpu.memory_space<vmem>> -> memref<1x128xi32, #tpu.memory_space<vmem>>
        %dma_start3A_516 = tpu.memref_squeeze %dma_start3A_515 : memref<1x128xi32, #tpu.memory_space<vmem>> -> memref<128xi32, #tpu.memory_space<vmem>>
        %dma_start3A_517 = arith.constant 0 : i32
        %dma_start3A_518 = tpu.memref_slice %arg3[%shift_right_logical3A_511, %and3A_513, %dma_start3A_517] : memref<50x128x128xi32, #tpu.memory_space<hbm>> -> memref<1x1x128xi32, #tpu.memory_space<hbm>>
        %dma_start3A_519 = tpu.memref_squeeze %dma_start3A_518 : memref<1x1x128xi32, #tpu.memory_space<hbm>> -> memref<128xi32, #tpu.memory_space<hbm>>
        %dma_start3A_520 = tpu.memref_slice %arg9[%rem3A_508] : memref<8x!tpu.dma_semaphore, #tpu.memory_space<semaphore_mem>> -> memref<1x!tpu.dma_semaphore, #tpu.memory_space<semaphore_mem>>
        %dma_start3A_521 = tpu.memref_squeeze %dma_start3A_520 : memref<1x!tpu.dma_semaphore, #tpu.memory_space<semaphore_mem>> -> memref<!tpu.dma_semaphore, #tpu.memory_space<semaphore_mem>>
        %dma_start3A_522 = arith.constant 0 : i32
        %dma_start3A_523 = tpu.memref_slice %arg5[%rem3A_508, %dma_start3A_522] : memref<8x128xi32, #tpu.memory_space<vmem>> -> memref<1x128xi32, #tpu.memory_space<vmem>>
        %dma_start3A_524 = tpu.memref_squeeze %dma_start3A_523 : memref<1x128xi32, #tpu.memory_space<vmem>> -> memref<128xi32, #tpu.memory_space<vmem>>
        %dma_start3A_525 = arith.constant 0 : i32
        %dma_start3A_526 = tpu.memref_slice %arg3[%shift_right_logical3A_511, %and3A_513, %dma_start3A_525] : memref<50x128x128xi32, #tpu.memory_space<hbm>> -> memref<1x1x128xi32, #tpu.memory_space<hbm>>
        %dma_start3A_527 = tpu.memref_squeeze %dma_start3A_526 : memref<1x1x128xi32, #tpu.memory_space<hbm>> -> memref<128xi32, #tpu.memory_space<hbm>>
        tpu.enqueue_dma source(%dma_start3A_527 : memref<128xi32, #tpu.memory_space<hbm>>) target(%dma_start3A_524 : memref<128xi32, #tpu.memory_space<vmem>>) target_semaphore(%dma_start3A_521 : memref<!tpu.dma_semaphore, #tpu.memory_space<semaphore_mem>>)
      } else {
      }
    }
    %scan3A_318 = arith.constant 100 : i32
    %add3A_319 = arith.constant 198 : i32
    %add3A_320 = arith.addi %mul3A_2, %add3A_319 : i32
    %shift_right_logical3A_321 = arith.constant 7 : i32
    %shift_right_logical3A_322 = arith.shrui %add3A_320, %shift_right_logical3A_321 : i32
    %and3A_323 = arith.constant 127 : i32
    %and3A_324 = arith.andi %add3A_320, %and3A_323 : i32
    %dma_wait3A_325 = arith.constant 0 : i32
    %dma_wait3A_326 = arith.constant 0 : i32
    %dma_wait3A_327 = arith.constant 0 : i32
    %dma_wait3A_328 = arith.constant 0 : i32
    %dma_wait3A_329 = tpu.memref_slice %arg7[%dma_wait3A_325, %dma_wait3A_326, %dma_wait3A_327, %dma_wait3A_328] : memref<8x1x8x129xf32, #tpu.memory_space<vmem>> -> memref<8x1x8x128xf32, #tpu.memory_space<vmem>>
    %dma_wait3A_330 = arith.constant 0 : i32
    %dma_wait3A_331 = arith.constant 0 : i32
    %dma_wait3A_332 = arith.constant 0 : i32
    %dma_wait3A_333 = tpu.memref_slice %arg4[%shift_right_logical3A_322, %dma_wait3A_330, %and3A_324, %dma_wait3A_331, %dma_wait3A_332] : memref<50x8x128x8x128xf32, #tpu.memory_space<hbm>> -> memref<1x8x1x8x128xf32, #tpu.memory_space<hbm>>
    %dma_wait3A_334 = tpu.memref_squeeze %dma_wait3A_333 : memref<1x8x1x8x128xf32, #tpu.memory_space<hbm>> -> memref<8x1x8x128xf32, #tpu.memory_space<hbm>>
    %dma_wait3A_335 = arith.constant 0 : i32
    %dma_wait3A_336 = arith.constant 0 : i32
    %dma_wait3A_337 = arith.constant 0 : i32
    %dma_wait3A_338 = tpu.memref_slice %arg4[%shift_right_logical3A_322, %dma_wait3A_335, %and3A_324, %dma_wait3A_336, %dma_wait3A_337] : memref<50x8x128x8x128xf32, #tpu.memory_space<hbm>> -> memref<1x8x1x8x128xf32, #tpu.memory_space<hbm>>
    %dma_wait3A_339 = tpu.memref_squeeze %dma_wait3A_338 : memref<1x8x1x8x128xf32, #tpu.memory_space<hbm>> -> memref<8x1x8x128xf32, #tpu.memory_space<hbm>>
    %dma_wait3A_340 = arith.constant 0 : i32
    %dma_wait3A_341 = arith.constant 0 : i32
    %dma_wait3A_342 = arith.constant 0 : i32
    %dma_wait3A_343 = arith.constant 0 : i32
    %dma_wait3A_344 = tpu.memref_slice %arg7[%dma_wait3A_340, %dma_wait3A_341, %dma_wait3A_342, %dma_wait3A_343] : memref<8x1x8x129xf32, #tpu.memory_space<vmem>> -> memref<8x1x8x128xf32, #tpu.memory_space<vmem>>
    tpu.wait_dma2 semaphore(%arg11 : memref<!tpu.dma_semaphore, #tpu.memory_space<semaphore_mem>>) src(%dma_wait3A_344 : memref<8x1x8x128xf32, #tpu.memory_space<vmem>>) dst(%dma_wait3A_339 : memref<8x1x8x128xf32, #tpu.memory_space<hbm>>)
    %add3A_345 = arith.constant 199 : i32
    %add3A_346 = arith.addi %mul3A_2, %add3A_345 : i32
    %shift_right_logical3A_347 = arith.constant 7 : i32
    %shift_right_logical3A_348 = arith.shrui %add3A_346, %shift_right_logical3A_347 : i32
    %and3A_349 = arith.constant 127 : i32
    %and3A_350 = arith.andi %add3A_346, %and3A_349 : i32
    %dma_wait3A_351 = arith.constant 0 : i32
    %dma_wait3A_352 = arith.constant 0 : i32
    %dma_wait3A_353 = arith.constant 0 : i32
    %dma_wait3A_354 = arith.constant 0 : i32
    %dma_wait3A_355 = tpu.memref_slice %arg8[%dma_wait3A_351, %dma_wait3A_352, %dma_wait3A_353, %dma_wait3A_354] : memref<8x1x8x129xf32, #tpu.memory_space<vmem>> -> memref<8x1x8x128xf32, #tpu.memory_space<vmem>>
    %dma_wait3A_356 = arith.constant 0 : i32
    %dma_wait3A_357 = arith.constant 0 : i32
    %dma_wait3A_358 = arith.constant 0 : i32
    %dma_wait3A_359 = tpu.memref_slice %arg4[%shift_right_logical3A_348, %dma_wait3A_356, %and3A_350, %dma_wait3A_357, %dma_wait3A_358] : memref<50x8x128x8x128xf32, #tpu.memory_space<hbm>> -> memref<1x8x1x8x128xf32, #tpu.memory_space<hbm>>
    %dma_wait3A_360 = tpu.memref_squeeze %dma_wait3A_359 : memref<1x8x1x8x128xf32, #tpu.memory_space<hbm>> -> memref<8x1x8x128xf32, #tpu.memory_space<hbm>>
    %dma_wait3A_361 = arith.constant 0 : i32
    %dma_wait3A_362 = arith.constant 0 : i32
    %dma_wait3A_363 = arith.constant 0 : i32
    %dma_wait3A_364 = tpu.memref_slice %arg4[%shift_right_logical3A_348, %dma_wait3A_361, %and3A_350, %dma_wait3A_362, %dma_wait3A_363] : memref<50x8x128x8x128xf32, #tpu.memory_space<hbm>> -> memref<1x8x1x8x128xf32, #tpu.memory_space<hbm>>
    %dma_wait3A_365 = tpu.memref_squeeze %dma_wait3A_364 : memref<1x8x1x8x128xf32, #tpu.memory_space<hbm>> -> memref<8x1x8x128xf32, #tpu.memory_space<hbm>>
    %dma_wait3A_366 = arith.constant 0 : i32
    %dma_wait3A_367 = arith.constant 0 : i32
    %dma_wait3A_368 = arith.constant 0 : i32
    %dma_wait3A_369 = arith.constant 0 : i32
    %dma_wait3A_370 = tpu.memref_slice %arg8[%dma_wait3A_366, %dma_wait3A_367, %dma_wait3A_368, %dma_wait3A_369] : memref<8x1x8x129xf32, #tpu.memory_space<vmem>> -> memref<8x1x8x128xf32, #tpu.memory_space<vmem>>
    tpu.wait_dma2 semaphore(%arg12 : memref<!tpu.dma_semaphore, #tpu.memory_space<semaphore_mem>>) src(%dma_wait3A_370 : memref<8x1x8x128xf32, #tpu.memory_space<vmem>>) dst(%dma_wait3A_365 : memref<8x1x8x128xf32, #tpu.memory_space<hbm>>)
    return
  }
}

</mosaic_0001>

<sc_bundles>
// kernel: kernel.3.cloned.1.call-start
scs
__scs_entry_jumppad:
0x0: {  	(pc) =	sbr.rel $0x88, $3  }
0x1: {  	(tag) =	ssettag $0x0;
	lr =	simm.s32 $0x1  }
0x2: {  	[smem:$0x3F9F] =	sst lr;
	_ =	strace $0xD0000000  }
0x3: {  	_ = 	snop  }
0x4: {  	_ = 	snop  }
0x5: {  	_ = 	snop  }
0x6: {  	_ = 	snop  }
0x7: {  	_ = 	snop  }
__scs_overlays_trampoline_lowered:
0x8: {  	[smem:$0x3FAE] =	sst s0  }
0x9: {  	[smem:$0x3FAF] =	sst s1  }
0xa: {  	[smem:$0x3FB0] =	sst s2  }
0xb: {  	[smem:$0x3FB1] =	sst s3  }
0xc: {  	[smem:$0x3FB2] =	sst s4  }
0xd: {  	[smem:$0x3FB3] =	sst s5  }
0xe: {  	[smem:$0x3FB4] =	sst s6  }
0xf: {  	[smem:$0x3FB5] =	sst s7  }
0x10: {  	[smem:$0x3FB6] =	sst s8  }
0x11: {  	[smem:$0x3FB7] =	sst s9;
	s0 =	simm.s32 @!p0 $0x0  }
0x12: {  	s1 =	sld [smem:$0x3F9D];
	s0 =	simm.s32 @p0 $0x1  }
0x13: {  	[smem:$0x3FB8] =	sst s0;
	s0 =	simm.s32 @!p1 $0x0  }
0x14: {  	s2 =	sld [smem:$0x3F9C];
	s0 =	simm.s32 @p1 $0x1  }
0x15: {  	[smem:$0x3FB9] =	sst s0;
	s0 =	simm.s32 @!p2 $0x0  }
0x16: {  	s3 =	sld [smem:$0x3FDB];
	s0 =	simm.s32 @p2 $0x1  }
0x17: {  	s4 =	simm.s32 $0x1BF5;
	[smem:$0x3FBB] =	sst s0  }
0x18: {  	s0 =	sld [smem:$0x3F9E];
	_ =	swait.ge [sflag:s4], $0x0  }
0x19: {  	s7 =	sld [smem:$0x3F9F]  }
0x1a: {  	s8 =	sadd.s32 $0xFFFFE003, lr  }
0x1b: {  	s9 =	sadd.s32 $0xFFFFFEF7, lr;
	s5 =	simm.s32 $0xFFFFFFFF;
	p2 =	slt.u32 s8, $0xFFFFF086  }
0x1c: {  	p1 =	slt.u32 s9, $0xF7A;
	s5 =	simm.s32 @!p2 $0x0  }
0x1d: {  	s5 =	simm.s32 @p1 $0x1;
	p0 =	seq.s32 s7, s2  }
0x1e: {  	s7 =	smul.u32 @!p0 $0xF7A, s2;
	p2 =	seq.s32 @!p0 s5, $0x0  }
0x1f: {  	s9 =	smul.u32 $0xF7A, s1;
	s8 =	simm.s32 @!p0 $0x1BF5;
	p2 =	por !p2, p0  }
0x20: {  	[sflag:s8] =	ssyncset.s32 @!p0 $0xFFFFF086;
	s6 =	sadd.s32 @!p0 s3, s7;
	s7 =	simm.s32 @!p0 $0x108  }
0x21: {  	s3 =	sadd.s32 s3, s9;
	s6 =	sadd.s32 @!p0 $0x88, s6;
	s7 =	simm.s32 @p2 $0x1082  }
0x22: {  	[simem:s7], [sflag:s8] =	dma.local @!p0 [hbm:s6], $0xF7A  }
0x23: {  	s9 =	sor.u32 $0xD0000000, s2;
	s6 =	simm.s32 $0x108;
	_ =	swait.ge @!p0 [sflag:s8], $0x0  }
0x24: {  	s3 =	sadd.s32 $0x88, s3;
	s6 =	simm.s32 @!p1 $0x1082;
	[sflag:s4] =	ssyncset.s32 $0xFFFFF086  }
0x25: {  	[simem:s6], [sflag:s4] =	dma.local [hbm:s3], $0xF7A  }
0x26: {  	[smem:$0x3F9F] =	sst s1;
	(tag) =	ssettag s2;
	_ =	strace s9  }
0x27: {  	s1 =	sld [smem:$0x3FAF]  }
0x28: {  	s2 =	sld [smem:$0x3FB0]  }
0x29: {  	s4 =	sld [smem:$0x3FB2]  }
0x2a: {  	p0 =	seq.s32 s5, $0x0;
	s5 =	sld [smem:$0x3FB3]  }
0x2b: {  	s6 =	sld [smem:$0x3FB4]  }
0x2c: {  	s7 =	sld [smem:$0x3FB5]  }
0x2d: {  	s3 =	simm.s32 $0x108;
	s8 =	sld [smem:$0x3FB6]  }
0x2e: {  	s3 =	simm.s32 @!p0 $0x1082;
	s9 =	sld [smem:$0x3FB7]  }
0x2f: {  	lr =	sadd.s32 s0, s3;
	s0 =	sld [smem:$0x3FAE]  }
0x30: {  	s3 =	sld [smem:$0x3FB1]  }
0x31: {  	[smem:$0x3FBA] =	sst s10  }
0x32: {  	s10 =	sld [smem:$0x3FB8];
	_ =	sdelay $0x3  }
0x33: {  	p0 =	seq.s32 s10, $0x1;
	s10 =	sld [smem:$0x3FBA];
	_ =	sdelay $0x3  }
0x34: {  	[smem:$0x3FBA] =	sst s10  }
0x35: {  	s10 =	sld [smem:$0x3FB9];
	_ =	sdelay $0x3  }
0x36: {  	p1 =	seq.s32 s10, $0x1;
	s10 =	sld [smem:$0x3FBA];
	_ =	sdelay $0x3  }
0x37: {  	[smem:$0x3FBA] =	sst s10  }
0x38: {  	s10 =	sld [smem:$0x3FBB]  }
0x39: {  	_ = 	snop;
	(pc) =	sbr.ind lr, $3  }
0x3a: {  	_ = 	snop  }
0x3b: {  	_ = 	snop  }
0x3c: {  	p2 =	seq.s32 s10, $0x1;
	s10 =	sld [smem:$0x3FBA]  }
0x3d: {  	_ =	shalt  }
0x3e: {  	_ =	shalt  }
0x3f: {  	_ =	shalt  }
0x40: {  	_ =	shalt  }
0x41: {  	_ =	shalt  }
0x42: {  	_ =	shalt  }
0x43: {  	_ =	shalt  }
0x44: {  	_ =	shalt  }
0x45: {  	_ =	shalt  }
0x46: {  	_ =	shalt  }
0x47: {  	_ =	shalt  }
0x48: {  	_ =	shalt  }
0x49: {  	_ =	shalt  }
0x4a: {  	_ =	shalt  }
0x4b: {  	_ =	shalt  }
0x4c: {  	_ =	shalt  }
0x4d: {  	_ =	shalt  }
0x4e: {  	_ =	shalt  }
0x4f: {  	_ =	shalt  }
0x50: {  	_ =	shalt  }
0x51: {  	_ =	shalt  }
0x52: {  	_ =	shalt  }
0x53: {  	_ =	shalt  }
0x54: {  	_ =	shalt  }
0x55: {  	_ =	shalt  }
0x56: {  	_ =	shalt  }
0x57: {  	_ =	shalt  }
0x58: {  	_ =	shalt  }
0x59: {  	_ =	shalt  }
0x5a: {  	_ =	shalt  }
0x5b: {  	_ =	shalt  }
0x5c: {  	_ =	shalt  }
0x5d: {  	_ =	shalt  }
0x5e: {  	_ =	shalt  }
0x5f: {  	_ =	shalt  }
0x60: {  	_ =	shalt  }
0x61: {  	_ =	shalt  }
0x62: {  	_ =	shalt  }
0x63: {  	_ =	shalt  }
0x64: {  	_ =	shalt  }
0x65: {  	_ =	shalt  }
0x66: {  	_ =	shalt  }
0x67: {  	_ =	shalt  }
0x68: {  	_ =	shalt  }
0x69: {  	_ =	shalt  }
0x6a: {  	_ =	shalt  }
0x6b: {  	_ =	shalt  }
0x6c: {  	_ =	shalt  }
0x6d: {  	_ =	shalt  }
0x6e: {  	_ =	shalt  }
0x6f: {  	_ =	shalt  }
0x70: {  	_ =	shalt  }
0x71: {  	_ =	shalt  }
0x72: {  	_ =	shalt  }
0x73: {  	_ =	shalt  }
0x74: {  	_ =	shalt  }
0x75: {  	_ =	shalt  }
0x76: {  	_ =	shalt  }
0x77: {  	_ =	shalt  }
0x78: {  	_ =	shalt  }
0x79: {  	_ =	shalt  }
0x7a: {  	_ =	shalt  }
0x7b: {  	_ =	shalt  }
0x7c: {  	_ =	shalt  }
0x7d: {  	_ =	shalt  }
0x7e: {  	_ =	shalt  }
0x7f: {  	_ =	shalt  }
0x80: {  	_ =	shalt  }
0x81: {  	_ =	shalt  }
0x82: {  	_ =	shalt  }
0x83: {  	_ =	shalt  }
0x84: {  	_ =	shalt  }
0x85: {  	_ =	shalt  }
0x86: {  	_ =	shalt  }
0x87: {  	_ =	shalt  }
.Lfunc_end0:
.L_simem_size_0:
called_computation_lowered:
.L_overlay_start_0:
0x88: {  	s2 =	sld [smem:$0x3FD9]  }
0x89: {  	s3 =	sld [smem:$0x3FFE];
	_ =	sdelay $0x1  }
0x8a: {  	s1 =	srdreg.scid  }
0x8b: {  	s0 =	sand.u32 $0x1, s1  }
0x8c: {  	s17 =	sshll.u32 s0, $0xA;
	s2 =	sadd.s32 s3, s2  }
0x8d: {  	s2 =	sadd.s32 s2, s17  }
0x8e: {  	[smem:$0x3FC6] =	sst s2  }
0x8f: {  	_ = 	snop  }
0x90: {  	s2 =	sld [smem:$0x3FD0];
	(tm) =	ssettm $0x1  }
0x91: {  	s18 =	sld [smem:$0x3FFB];
	_ =	sdelay $0x3  }
0x92: {  	_ =	strace s18  }
0x93: {  	s3 =	sld [smem:$0x3FFC];
	_ =	sdelay $0x3  }
0x94: {  	_ =	strace s3  }
0x95: {  	s3 =	sld [smem:$0x3FFD];
	_ =	sdelay $0x3  }
0x96: {  	_ =	strace s3  }
0x97: {  	_ =	strace $0x8FFFFFFF  }
0x98: {  	s19 =	sld [smem:$0x3FDB];
	_ =	sdelay $0x1  }
0x99: {  	s4 =	simm.s32 $_scs_section_size  }
0x9a: {  	s5 =	simm.s32 $_size__tile_overlayer_lowered;
	s6 =	simm.s32 $_tile_overlayer_lowered  }
0x9b: {  	s22 =	simm.s32 $0x1BFF;
	s21 =	sshll.u32 s6, $0x1;
	s3 =	sadd.s32 s4, s19  }
0x9c: {  	s7 =	simm.s32 $0x0;
	s20 =	sshll.u32 s5, $0x1;
	s5 =	sadd.s32 s21, s3  }
0x9d: {  	[timem:s7], [sflag:s22] =	dma.local [hbm:s5], s20  }
0x9e: {  	_ =	swait.ge [sflag:s22], s20  }
0x9f: {  	s4 =	ssub.s32 $0x0, s20;
	[sflag:s22] =	ssyncset.done $0x0  }
0xa0: {  	[sflag:s22] =	ssyncadd.s32 s4;
	_ =	sdelay $0x1  }
0xa1: {  	s23 =	simm.s32 $0x1B8B  }
0xa2: {  	_ =	swait.ge [sflag:s23], $0x1  }
0xa3: {  	[sflag:s23] =	ssyncset.done $0x0  }
0xa4: {  	s25 =	simm.s32 $0x1B8E;
	s24 =	sld [smem:$0x3FFE];
	[sflag:s23] =	ssyncadd.s32 $0xFFFFFFFF  }
0xa5: {  	s26 =	simm.s32 $execute0_lowered;
	[smem:$0x3FD2] =	sst s25  }
0xa6: {  	s5 =	sshll.u32 s26, $0x1;
	_ =	strace $0x80000046;
	[dreg:$0x1] =	wrdreg $0xFFFFFFFF  }
0xa7: {  	s28 =	simm.s32 $_size_execute0_lowered;
	s3 =	sadd.s32 s3, s5;
	[dreg:$0x0] =	wrdreg $0x0  }
0xa8: {  	s5 =	sshll.u32 s28, $0x1;
	[dreg:$0x2] =	wrdreg s3  }
0xa9: {  	[dreg:$0x3] =	wrdreg s5  }
0xaa: {  	[dreg:$0x4] =	wrdreg $0xC0  }
0xab: {  	_ =	task [dreg:s7], $0x5FFFF  }
0xac: {  	[dreg:$0x1] =	wrdreg $0xFFFFFFFF  }
0xad: {  	[dreg:$0x0] =	wrdreg $0x60  }
0xae: {  	[dreg:$0x2] =	wrdreg s24  }
0xaf: {  	[dreg:$0x3] =	wrdreg s2  }
0xb0: {  	[dreg:$0x4] =	wrdreg $0x9  }
0xb1: {  	_ =	task.clear_ibuf [dreg:s7], $0x5FFFF;
	_ =	strace $0x90000046  }
0xb2: {  	s29 =	simm.s32 $0x9;
	_ =	strace $0x80000048  }
0xb3: {  	_ =	swait.ge [sflag:s29], $0x1  }
0xb4: {  	[sflag:s29] =	ssyncadd.s32 $0xFFFFFFFF  }
0xb5: {  	_ =	strace $0x90000048  }
0xb6: {  	_ =	sfence  }
0xb7: {  	s30 =	sld [smem:$0x0];
	_ =	sdelay $0x2  }
0xb8: {  	s31 =	sshll.u32 s1, $0xD;
	s1 =	sshrl.u32 s1, $0x2  }
0xb9: {  	s3 =	sand.u32 $0x4000, s31;
	s1 =	sadd.s32 s1, s30  }
0xba: {  	s0 =	sor.u32 s3, s0;
	s1 =	sshll.u32 s1, $0x11  }
0xbb: {  	s0 =	sor.u32 s1, s0  }
0xbc: {  	s0 =	sadd.s32 $0x8F2B, s0  }
0xbd: {  	[sflag:s0] =	ssyncadd.remote.s32 $0x1  }
0xbe: {  	_ =	sfence.sel $0xFFFF  }
0xbf: {  	[dreg:$0x0] =	wrdreg $0xFFFFFFFF;
	(pc) =	sbr.abs _section_cstart, $3  }
0xc0: {  	[dreg:$0x1] =	wrdreg $0xFFFFFFFF  }
0xc1: {  	_ =	task.clear_ibuf [dreg:s7], $0x2FFFF;
	_ =	strace $0x9FFFFFFF  }
0xc2: {  	(tm) =	ssettm $0x7FFFFFFF  }
0xc3: {  	_ =	shalt  }
tec
execute0_lowered:
.L_overlay_start_1:
0x0: {  	(tag) =	ssettag $0x1  }
0x1: {  	s0 =	srdreg.scid;
	s5 =	rddreg [dreg:$0x0];
	v0 =	vlaneseq.u32  }
0x2: {  	s1 =	stileid.u32;
	s2 =	rddreg [dreg:$0x1];
	v0 =	vmul.u32 $0x88, v0  }
0x3: {  	s3 =	simm.s32 $0x0;
	v1 =	vimm.s32 $0x0;
	vm0 =	vcmask $0x300;
	s0 =	sand.u32 $0x1, s0;
	s1 =	sshll.u32 s1, $0x1  }
0x4: {  	s13 =	simm.s32 $0x80;
	s17 =	simm.s32 $0x1;
	v1 =	vsel vm0, $0x3, v1;
	s1 =	sor.u32 s0, s1;
	v2 =	vadd.s32 $0x880, v0  }
0x5: {  	s19 =	simm.s32 $0x2;
	s21 =	simm.s32 $0x3;
	s4 =	smul.u32 $0x6400, s1;
	v3 =	vadd.s32 $0x1100, v0;
	v4 =	vadd.s32 $0x1980, v0;
	v5 =	vor.u32 $0x1, v0  }
0x6: {  	s23 =	simm.s32 $0x4;
	s25 =	simm.s32 $0x10400;
	s6 =	smul.u32 $0x2400, s1;
	v6 =	vadd.s32 $0x881, v0;
	v7 =	vadd.s32 $0x1101, v0;
	v8 =	vadd.s32 $0x1981, v0  }
0x7: {  	s28 =	simm.s32 $0x11;
	s29 =	simm.s32 $0x12;
	s30 =	simm.s32 $0x0;
	v9 =	vor.u32 $0x2, v0;
	v10 =	vadd.s32 $0x882, v0;
	v11 =	vadd.s32 $0x1102, v0  }
0x8: {  	[smem:$0x7FF] =	sst s3;
	v12 =	vadd.s32 $0x1982, v0;
	v13 =	vor.u32 $0x3, v0;
	v14 =	vadd.s32 $0x883, v0;
	s4 =	sand.u32 $0xFC000, s4;
	s6 =	sand.u32 $0x3C00, s6  }
0x9: {  	_ =	strace $0x80000047;
	s0 =	ssub.s32 $0x2, s0;
	v15 =	vadd.s32 $0x1103, v0;
	v16 =	vadd.s32 $0x1983, v0;
	v17 =	vor.u32 $0x4, v0;
	s6 =	sor.u32 s6, s4  }
0xa: {  	s7 =	sshrl.u32 s0, $0x1;
	v18 =	vadd.s32 $0x884, v0;
	v19 =	vadd.s32 $0x1104, v0;
	v20 =	vadd.s32 $0x1984, v0;
	s4 =	sadd.s32 $0x600, s5;
	s6 =	sshrl.u32 s6, $0x3  }
0xb: {  	v21 =	vor.u32 $0x5, v0;
	v22 =	vadd.s32 $0x885, v0;
	v23 =	vadd.s32 $0x1105, v0;
	s0 =	ssub.s32 s0, s7;
	s7 =	smul.u32 $0xC8, s1;
	s6 =	sadd.s32 s4, s6  }
0xc: {  	v24 =	vadd.s32 $0x1985, v0;
	v25 =	vor.u32 $0x6, v0;
	v26 =	vadd.s32 $0x886, v0;
	s12 =	smax.u32 s0, $0x1;
	s5 =	sadd.s32 $0xF42A00, s5;
	s26 =	sadd.s32 $0x10, s6  }
0xd: {  	v27 =	vadd.s32 $0x1106, v0;
	v28 =	vadd.s32 $0x1986, v0;
	v29 =	vor.u32 $0x7, v0;
	s31 =	sadd.s32 $0x20, s6;
	s10 =	sadd.s32 $0x30, s6;
	[dreg:$0x3] =	wrdreg s26  }
0xe: {  	v30 =	vadd.s32 $0x887, v0;
	v31 =	vadd.s32 $0x1107, v0;
	v32 =	vadd.s32 $0x1987, v0;
	s11 =	sadd.s32 $0x40, s6;
	[dreg:$0x4] =	wrdreg s31;
	s26 =	simm.s32 $0x12600  }
.LBB2_1:
0xf: {  	[tilespmem:s3], [sflag:$0x1] =	stream.linear.gather [hbm4b:s6+s3], $0x80, $0x38;
	[tilespmem:$0x14800] =	vst v63  }
0x10: {  	s0 =	rddreg [dreg:$0x3]  }
0x11: {  	[tilespmem:s13], [sflag:$0x2] =	stream.linear.gather [hbm4b:s0+s3], $0x80, $0x38;
	[tilespmem:$0x14800] =	vst v63  }
0x12: {  	s15 =	rddreg [dreg:$0x4];
	s1 =	simm.s32 $0x100  }
0x13: {  	[tilespmem:s1], [sflag:$0x3] =	stream.linear.gather [hbm4b:s15+s3], $0x80, $0x38;
	[tilespmem:$0x14800] =	vst v63  }
0x14: {  	s16 =	simm.s32 $0x180  }
0x15: {  	[tilespmem:s16], [sflag:$0x4] =	stream.linear.gather [hbm4b:s10+s3], $0x80, $0x38;
	[tilespmem:$0x14800] =	vst v63  }
0x16: {  	s8 =	simm.s32 $0x200  }
0x17: {  	[tilespmem:s8], [sflag:$0x5] =	stream.linear.gather [hbm4b:s11+s3], $0x80, $0x38;
	[tilespmem:$0x14800] =	vst v63  }
0x18: {  	_ =	swait.ge [sflag:s17], $0x80  }
0x19: {  	[sflag:s17] =	ssyncset.done $0x0  }
0x1a: {  	s18 =	simm.s32 $0x400;
	[sflag:s17] =	ssyncadd.s32 $0xFFFFFF80  }
0x1b: {  	[tilespmem:s18], [sflag:$0x9] =	stream.indirect.gather [hbm4b:s5+s13], $0x40, s3, s13, $0xb8;
	[tilespmem:$0x14800] =	vst v63  }
0x1c: {  	_ =	swait.ge [sflag:s19], $0x80  }
0x1d: {  	[sflag:s19] =	ssyncset.done $0x0  }
0x1e: {  	s20 =	simm.s32 $0x2400;
	[sflag:s19] =	ssyncadd.s32 $0xFFFFFF80  }
0x1f: {  	[tilespmem:s20], [sflag:$0xA] =	stream.indirect.gather [hbm4b:s5+s13], $0x40, s13, s13, $0xb8;
	[tilespmem:$0x14800] =	vst v63  }
0x20: {  	_ =	swait.ge [sflag:s21], $0x80  }
0x21: {  	[sflag:s21] =	ssyncset.done $0x0  }
0x22: {  	s22 =	simm.s32 $0x4400;
	[sflag:s21] =	ssyncadd.s32 $0xFFFFFF80  }
0x23: {  	[tilespmem:s22], [sflag:$0xB] =	stream.indirect.gather [hbm4b:s5+s13], $0x40, s1, s13, $0xb8;
	[tilespmem:$0x14800] =	vst v63  }
0x24: {  	_ =	swait.ge [sflag:s23], $0x80  }
0x25: {  	s24 =	simm.s32 $0x6400;
	s31 =	simm.s32 $0x0;
	[sflag:s23] =	ssyncset.done $0x0  }
0x26: {  	s0 =	simm.s32 $0x0;
	s1 =	simm.s32 $0x0;
	[sflag:s23] =	ssyncadd.s32 $0xFFFFFF80  }
0x27: {  	[tilespmem:s24], [sflag:$0xC] =	stream.indirect.gather [hbm4b:s5+s13], $0x40, s16, s13, $0xb8;
	[tilespmem:$0x14800] =	vst v63  }
.LBB2_2:
0x28: {  	s16 =	sshll.u32 s0, $0x1;
	s14 =	simm.s32 $0x0;
	s18 =	simm.s32 $0x1  }
0x29: {  	s15 =	simm.s32 $0x2;
	s22 =	simm.s32 $0x3;
	s20 =	sand.u32 $0x6, s16  }
0x2a: {  	s24 =	simm.s32 $0x4;
	s9 =	simm.s32 $0x5;
	v33 =	vmov s14;
	v34 =	vmov s18;
	v35 =	vmov s15;
	s8 =	sor.u32 $0x9, s20  }
0x2b: {  	s18 =	simm.s32 $0x7;
	v36 =	vmov s22;
	v37 =	vmov s24;
	v39 =	vmov s9;
	s22 =	simm.s32 $0x6;
	_ =	swait.ge [sflag:s8], $0x2000  }
0x2c: {  	p0 =	seq.s32 s0, $0x0;
	v33 =	vshrl.u32 v33, $0x3;
	v38 =	vmov s18;
	v40 =	vmov s22;
	[sflag:s8] =	ssyncset.done $0x0  }
0x2d: {  	v34 =	vshrl.u32 v34, $0x3;
	v35 =	vshrl.u32 v35, $0x3;
	v38 =	vshrl.u32 v38, $0x3;
	[sflag:s8] =	ssyncadd.s32 $0xFFFFE000;
	s8 =	simm.s32 @!p0 $0x11  }
0x2e: {  	s24 =	sand.u32 $0x3, s1;
	v36 =	vshrl.u32 v36, $0x3;
	v37 =	vshrl.u32 v37, $0x3;
	v38 =	vshll.u32 v38, v1;
	_ =	swait.ge @!p0 [sflag:s8], $0x2000  }
0x2f: {  	s9 =	sshll.u32 s24, $0xE;
	v55 =	vshrl.u32 v39, $0x3;
	v33 =	vshll.u32 v33, v1;
	v38 =	vbroadcast v38, $0x0;
	[sflag:s8] =	ssyncset.done @!p0 $0x0  }
0x30: {  	s22 =	sor.u32 $0x500, s9;
	v34 =	vshll.u32 v34, v1;
	v51 =	vshll.u32 v35, v1;
	v33 =	vbroadcast v33, $0x0;
	[sflag:s8] =	ssyncadd.s32 @!p0 $0xFFFFE000  }
0x31: {  	v52 =	vshll.u32 v36, v1;
	v47 =	vbroadcast v34, $0x0;
	v42 =	vadd.s32 v29, v38;
	v41 =	vld [tilespmem:s22+$0xC0]  }
0x32: {  	v54 =	vshll.u32 v37, v1;
	v53 =	vbroadcast v51, $0x0;
	v44 =	vadd.s32 v0, v33;
	v43 =	vld [tilespmem:s22+$0xFFFFFF00]  }
0x33: {  	v36 =	vshll.u32 v55, v1;
	v35 =	vbroadcast v52, $0x0;
	v46 =	vadd.s32 v5, v47;
	v45 =	vld [tilespmem:s22+$0xFFFFFF40]  }
0x34: {  	v40 =	vshrl.u32 v40, $0x3;
	v34 =	vbroadcast v54, $0x0;
	v49 =	vadd.s32 v9, v53;
	v48 =	vld [tilespmem:s22+$0xFFFFFF80]  }
0x35: {  	v37 =	vbroadcast v36, $0x0;
	v56 =	vshll.u32 v40, v1;
	v50 =	vadd.s32 v13, v35;
	v39 =	vld [tilespmem:s22+$0xFFFFFFC0]  }
0x36: {  	v36 =	vbroadcast v56, $0x0;
	v52 =	vadd.s32 v17, v34;
	v51 =	vld [tilespmem:s22+$0x0];
	[tilespmem:v42+s25+$0x0] =	vst.idx.msk $0xffff, v41  }
0x37: {  	v60 =	vadd.s32 v21, v37;
	v59 =	vld [tilespmem:s22+$0x40];
	[tilespmem:v44+s25+$0x0] =	vst.idx.msk $0xffff, v43  }
0x38: {  	v62 =	vadd.s32 v25, v36;
	v61 =	vld [tilespmem:s22+$0x80];
	[tilespmem:v46+s25+$0x0] =	vst.idx.msk $0xffff, v45  }
0x39: {  	v58 =	vadd.s32 v30, v38;
	[tilespmem:v49+s25+$0x0] =	vst.idx.msk $0xffff, v48;
	v57 =	vld [tilespmem:s22+$0xD0]  }
0x3a: {  	v63 =	vadd.s32 v6, v47;
	[tilespmem:v50+s25+$0x0] =	vst.idx.msk $0xffff, v39;
	v46 =	vld [tilespmem:s22+$0xFFFFFF50]  }
0x3b: {  	v55 =	vadd.s32 v10, v53;
	[tilespmem:v52+s25+$0x0] =	vst.idx.msk $0xffff, v51;
	v54 =	vld [tilespmem:s22+$0xFFFFFF90]  }
0x3c: {  	v56 =	vadd.s32 v14, v35;
	[tilespmem:v60+s25+$0x0] =	vst.idx.msk $0xffff, v59;
	v50 =	vld [tilespmem:s22+$0xFFFFFFD0]  }
0x3d: {  	[tilespmem:v62+s25+$0x0] =	vst.idx.msk $0xffff, v61;
	v45 =	vadd.s32 v22, v37;
	v44 =	vld [tilespmem:s22+$0x50]  }
0x3e: {  	v59 =	vadd.s32 v18, v34;
	[tilespmem:v58+s25+$0x0] =	vst.idx.msk $0xffff, v57;
	v58 =	vld [tilespmem:s22+$0x10]  }
0x3f: {  	v57 =	vadd.s32 v31, v38;
	[tilespmem:v63+s25+$0x0] =	vst.idx.msk $0xffff, v46;
	v40 =	vld [tilespmem:s22+$0xE0]  }
0x40: {  	v62 =	vadd.s32 v2, v33;
	v61 =	vld [tilespmem:s22+$0xFFFFFF10];
	[tilespmem:v55+s25+$0x0] =	vst.idx.msk $0xffff, v54  }
0x41: {  	v60 =	vadd.s32 v26, v36;
	v63 =	vld [tilespmem:s22+$0x90];
	[tilespmem:v56+s25+$0x0] =	vst.idx.msk $0xffff, v50  }
0x42: {  	v51 =	vadd.s32 v7, v47;
	[tilespmem:v45+s25+$0x0] =	vst.idx.msk $0xffff, v44;
	v50 =	vld [tilespmem:s22+$0xFFFFFF60]  }
0x43: {  	v56 =	vadd.s32 v11, v53;
	v55 =	vld [tilespmem:s22+$0xFFFFFFA0];
	[tilespmem:v59+s25+$0x0] =	vst.idx.msk $0xffff, v58  }
0x44: {  	v58 =	vadd.s32 v15, v35;
	[tilespmem:v57+s25+$0x0] =	vst.idx.msk $0xffff, v40;
	v57 =	vld [tilespmem:s22+$0xFFFFFFE0]  }
0x45: {  	v38 =	vadd.s32 v32, v38;
	[tilespmem:v62+s25+$0x0] =	vst.idx.msk $0xffff, v61;
	v52 =	vld [tilespmem:s22+$0xF0]  }
0x46: {  	[tilespmem:v60+s25+$0x0] =	vst.idx.msk $0xffff, v63;
	v60 =	vadd.s32 v19, v34;
	v59 =	vld [tilespmem:s22+$0x20]  }
0x47: {  	s14 =	simm.s32 $0x8;
	s18 =	simm.s32 $0xA;
	v41 =	vadd.s32 v23, v37;
	v43 =	vadd.s32 v27, v36;
	[tilespmem:v51+s25+$0x0] =	vst.idx.msk $0xffff, v50;
	v40 =	vld [tilespmem:s22+$0x60]  }
0x48: {  	s24 =	simm.s32 $0xB;
	v48 =	vadd.s32 v3, v33;
	v54 =	vmov s18;
	v63 =	vmov s14;
	v42 =	vld [tilespmem:s22+$0xA0];
	[tilespmem:v56+s25+$0x0] =	vst.idx.msk $0xffff, v55  }
0x49: {  	s15 =	simm.s32 $0x9;
	s9 =	sand.u32 $0x7, s31;
	v44 =	vmov s24;
	v53 =	vadd.s32 v12, v53;
	v45 =	vld [tilespmem:s22+$0xFFFFFF20];
	s14 =	simm.s32 $0xC;
	v39 =	vshrl.u32 v63, $0x3;
	[tilespmem:v58+s25+$0x0] =	vst.idx.msk $0xffff, v57  }
0x4a: {  	s18 =	simm.s32 $0xD;
	s24 =	simm.s32 $0xE;
	v50 =	vmov s15;
	s15 =	sshll.u32 s9, $0xD;
	v46 =	vmov s14;
	v49 =	vld [tilespmem:s22+$0xFFFFFF70];
	[tilespmem:v38+s25+$0x0] =	vst.idx.msk $0xffff, v52;
	v52 =	vadd.s32 v8, v47  }
0x4b: {  	s14 =	simm.s32 $0xF;
	v51 =	vld [tilespmem:s22+$0xFFFFFFB0];
	[tilespmem:v60+s25+$0x0] =	vst.idx.msk $0xffff, v59;
	v38 =	vmov s18;
	s18 =	sadd.s32 $0x25F0, s15;
	v47 =	vshll.u32 v39, v1;
	v39 =	vmov s24;
	s24 =	simm.s32 $0x10  }
.LBB2_3:
0x4c: {  	p1 =	slt.u32 s24, $0x78;
	v50 =	vshrl.u32 v50, $0x3;
	v55 =	vmov s14;
	v56 =	vld [tilespmem:s22+$0xFFFFFFF0];
	v35 =	vadd.s32 v16, v35;
	[tilespmem:v41+s25+$0x0] =	vst.idx.msk $0xffff, v40  }
0x4d: {  	v40 =	vshrl.u32 v54, $0x3;
	v34 =	vadd.s32 v20, v34;
	v41 =	vshrl.u32 v55, $0x3;
	v54 =	vld [tilespmem:s22+$0x30];
	[tilespmem:v43+s25+$0x0] =	vst.idx.msk $0xffff, v42  }
0x4e: {  	v37 =	vadd.s32 v24, v37;
	v42 =	vshrl.u32 v44, $0x3;
	v41 =	vshll.u32 v41, v1;
	[tilespmem:v48+s25+$0x0] =	vst.idx.msk $0xffff, v45;
	v43 =	vld [tilespmem:s22+$0x70]  }
0x4f: {  	v36 =	vadd.s32 v28, v36;
	v44 =	vshrl.u32 v46, $0x3;
	v41 =	vbroadcast v41, $0x0;
	[tilespmem:v52+s25+$0x0] =	vst.idx.msk $0xffff, v49;
	v45 =	vld [tilespmem:s22+$0xB0]  }
0x50: {  	v46 =	vshll.u32 v50, v1;
	v49 =	vadd.s32 v4, v33;
	v33 =	vbroadcast v47, $0x0;
	v48 =	vld [tilespmem:s22+$0xFFFFFF30];
	[tilespmem:v53+s25+$0x0] =	vst.idx.msk $0xffff, v51;
	s22 =	sadd.s32 $0x200, s22  }
0x51: {  	v40 =	vshll.u32 v40, v1;
	v47 =	vbroadcast v46, $0x0;
	v46 =	vld [tilespmem:s22+$0xC0];
	v50 =	vadd.s32 v29, v41;
	[tilespmem:v35+s25+$0x0] =	vst.idx.msk $0xffff, v56  }
0x52: {  	v53 =	vbroadcast v40, $0x0;
	v52 =	vadd.s32 v0, v33;
	v35 =	vshll.u32 v42, v1;
	v51 =	vld [tilespmem:s22+$0xFFFFFF00];
	[tilespmem:v34+s25+$0x0] =	vst.idx.msk $0xffff, v54  }
0x53: {  	v42 =	vadd.s32 v5, v47;
	v35 =	vbroadcast v35, $0x0;
	v34 =	vshll.u32 v44, v1;
	v40 =	vld [tilespmem:s22+$0xFFFFFF40];
	[tilespmem:v37+s25+$0x0] =	vst.idx.msk $0xffff, v43  }
0x54: {  	v44 =	vadd.s32 v9, v53;
	v34 =	vbroadcast v34, $0x0;
	v37 =	vshrl.u32 v38, $0x3;
	v43 =	vld [tilespmem:s22+$0xFFFFFF80];
	[tilespmem:v36+s25+$0x0] =	vst.idx.msk $0xffff, v45  }
0x55: {  	v39 =	vshrl.u32 v39, $0x3;
	v45 =	vadd.s32 v13, v35;
	v36 =	vshll.u32 v37, v1;
	v38 =	vld [tilespmem:s22+$0xFFFFFFC0];
	[tilespmem:v49+s25+$0x0] =	vst.idx.msk $0xffff, v48  }
0x56: {  	v49 =	vadd.s32 v17, v34;
	v37 =	vbroadcast v36, $0x0;
	v36 =	vshll.u32 v39, v1;
	v48 =	vld [tilespmem:s22+$0x0];
	[tilespmem:v50+s25+$0x0] =	vst.idx.msk $0xffff, v46  }
0x57: {  	v36 =	vbroadcast v36, $0x0;
	v46 =	vadd.s32 v30, v41;
	[tilespmem:v52+s25+$0x0] =	vst.idx.msk $0xffff, v51;
	v39 =	vld [tilespmem:s22+$0xD0]  }
0x58: {  	[tilespmem:v42+s25+$0x0] =	vst.idx.msk $0xffff, v40;
	v40 =	vld [tilespmem:s22+$0x40];
	v42 =	vadd.s32 v21, v37  }
0x59: {  	[tilespmem:v44+s25+$0x0] =	vst.idx.msk $0xffff, v43;
	v43 =	vld [tilespmem:s22+$0x80];
	v44 =	vadd.s32 v25, v36  }
0x5a: {  	v51 =	vadd.s32 v6, v47;
	v50 =	vld [tilespmem:s22+$0xFFFFFF50];
	[tilespmem:v45+s25+$0x0] =	vst.idx.msk $0xffff, v38  }
0x5b: {  	v45 =	vadd.s32 v10, v53;
	v38 =	vld [tilespmem:s22+$0xFFFFFF90];
	[tilespmem:v49+s25+$0x0] =	vst.idx.msk $0xffff, v48  }
0x5c: {  	v49 =	vadd.s32 v14, v35;
	v48 =	vld [tilespmem:s22+$0xFFFFFFD0];
	[tilespmem:v46+s25+$0x0] =	vst.idx.msk $0xffff, v39  }
0x5d: {  	[tilespmem:v42+s25+$0x0] =	vst.idx.msk $0xffff, v40;
	v39 =	vld [tilespmem:s22+$0xE0];
	v40 =	vadd.s32 v31, v41  }
0x5e: {  	v46 =	vadd.s32 v18, v34;
	v42 =	vld [tilespmem:s22+$0x10];
	[tilespmem:v44+s25+$0x0] =	vst.idx.msk $0xffff, v43  }
0x5f: {  	v44 =	vadd.s32 v22, v37;
	[tilespmem:v51+s25+$0x0] =	vst.idx.msk $0xffff, v50;
	v43 =	vld [tilespmem:s22+$0x50]  }
0x60: {  	[tilespmem:v45+s25+$0x0] =	vst.idx.msk $0xffff, v38;
	v38 =	vld [tilespmem:s22+$0x90];
	v45 =	vadd.s32 v26, v36  }
0x61: {  	v51 =	vadd.s32 v2, v33;
	v50 =	vld [tilespmem:s22+$0xFFFFFF10];
	[tilespmem:v49+s25+$0x0] =	vst.idx.msk $0xffff, v48  }
0x62: {  	v49 =	vadd.s32 v7, v47;
	v48 =	vld [tilespmem:s22+$0xFFFFFF60];
	[tilespmem:v40+s25+$0x0] =	vst.idx.msk $0xffff, v39  }
0x63: {  	[tilespmem:v46+s25+$0x0] =	vst.idx.msk $0xffff, v42;
	v39 =	vld [tilespmem:s22+$0xF0];
	v46 =	vadd.s32 v32, v41  }
0x64: {  	v55 =	vadd.s32 v11, v53;
	v52 =	vld [tilespmem:s22+$0xFFFFFFA0];
	[tilespmem:v44+s25+$0x0] =	vst.idx.msk $0xffff, v43  }
0x65: {  	v57 =	vadd.s32 v15, v35;
	v56 =	vld [tilespmem:s22+$0xFFFFFFE0];
	[tilespmem:v45+s25+$0x0] =	vst.idx.msk $0xffff, v38  }
0x66: {  	v59 =	vadd.s32 v19, v34;
	[tilespmem:v51+s25+$0x0] =	vst.idx.msk $0xffff, v50;
	v58 =	vld [tilespmem:s22+$0x20]  }
.Ltmp0:
0x67: {  	s8 =	sadd.s32 $0x1, s24;
	v41 =	vadd.s32 v23, v37;
	v38 =	vmov s24;
	[tilespmem:v49+s25+$0x0] =	vst.idx.msk $0xffff, v48;
	v40 =	vld [tilespmem:s22+$0x60];
	(pc) =	sbr.rel @p1 .LBB2_3-.Ltmp0, $4  }
0x68: {  	s14 =	sadd.s32 $0x3, s24;
	v43 =	vadd.s32 v27, v36;
	v51 =	vshrl.u32 v38, $0x3;
	v50 =	vmov s8;
	s8 =	sadd.s32 $0x2, s24;
	v42 =	vld [tilespmem:s22+$0xA0];
	[tilespmem:v46+s25+$0x0] =	vst.idx.msk $0xffff, v39  }
0x69: {  	v44 =	vmov s14;
	s14 =	sadd.s32 $0x5, s24;
	v54 =	vmov s8;
	s8 =	sadd.s32 $0x4, s24;
	v48 =	vadd.s32 v3, v33;
	v45 =	vld [tilespmem:s22+$0xFFFFFF20];
	[tilespmem:v55+s25+$0x0] =	vst.idx.msk $0xffff, v52  }
0x6a: {  	v38 =	vmov s14;
	v46 =	vmov s8;
	s8 =	sadd.s32 $0x6, s24;
	v52 =	vadd.s32 v8, v47;
	v49 =	vld [tilespmem:s22+$0xFFFFFF70];
	[tilespmem:v57+s25+$0x0] =	vst.idx.msk $0xffff, v56  }
0x6b: {  	v53 =	vadd.s32 v12, v53;
	s14 =	sadd.s32 $0x7, s24;
	s24 =	sadd.s32 $0x8, s24;
	v47 =	vshll.u32 v51, v1;
	v39 =	vmov s8;
	v51 =	vld [tilespmem:s22+$0xFFFFFFB0];
	[tilespmem:v59+s25+$0x0] =	vst.idx.msk $0xffff, v58  }
0x6c: {  	_ =	sdelay $0x2  }
0x6d: {  	v50 =	vshrl.u32 v50, $0x3  }
0x6e: {  	v55 =	vmov s14;
	v56 =	vld [tilespmem:s22+$0xFFFFFFF0];
	v35 =	vadd.s32 v16, v35;
	[tilespmem:v41+s25+$0x0] =	vst.idx.msk $0xffff, v40;
	v57 =	vshrl.u32 v54, $0x3  }
0x6f: {  	v59 =	vld [tilespmem:s22+$0x30];
	v34 =	vadd.s32 v20, v34;
	v60 =	vshrl.u32 v44, $0x3;
	v58 =	vshrl.u32 v55, $0x3;
	[tilespmem:v43+s25+$0x0] =	vst.idx.msk $0xffff, v42  }
0x70: {  	v37 =	vadd.s32 v24, v37;
	v62 =	vshrl.u32 v46, $0x3;
	v61 =	vld [tilespmem:s22+$0x70];
	v41 =	vshll.u32 v58, v1;
	[tilespmem:v48+s25+$0x0] =	vst.idx.msk $0xffff, v45  }
0x71: {  	v36 =	vadd.s32 v28, v36;
	v46 =	vbroadcast v47, $0x0;
	v63 =	vld [tilespmem:s22+$0xB0];
	v41 =	vbroadcast v41, $0x0;
	[tilespmem:v52+s25+$0x0] =	vst.idx.msk $0xffff, v49  }
0x72: {  	v33 =	vadd.s32 v4, v33;
	s14 =	sadd.s32 $0x200, s22;
	v38 =	vshrl.u32 v38, $0x3;
	v55 =	vshll.u32 v50, v1;
	v48 =	vld [tilespmem:s22+$0xFFFFFF30];
	[tilespmem:v53+s25+$0x0] =	vst.idx.msk $0xffff, v51  }
0x73: {  	v40 =	vshll.u32 v57, v1;
	v47 =	vbroadcast v55, $0x0;
	v49 =	vld [tilespmem:s14+$0xC0];
	v50 =	vadd.s32 v29, v41;
	[tilespmem:v35+s25+$0x0] =	vst.idx.msk $0xffff, v56  }
0x74: {  	v42 =	vshll.u32 v60, v1;
	v40 =	vbroadcast v40, $0x0;
	v35 =	vld [tilespmem:s14+$0xFFFFFF00];
	v56 =	vadd.s32 v0, v46;
	[tilespmem:v34+s25+$0x0] =	vst.idx.msk $0xffff, v59  }
0x75: {  	v57 =	vld [tilespmem:s14+$0xFFFFFF40];
	v44 =	vshll.u32 v62, v1;
	v42 =	vbroadcast v42, $0x0;
	v58 =	vadd.s32 v5, v47;
	[tilespmem:v37+s25+$0x0] =	vst.idx.msk $0xffff, v61  }
0x76: {  	v38 =	vshll.u32 v38, v1;
	v44 =	vbroadcast v44, $0x0;
	v60 =	vadd.s32 v9, v40;
	v59 =	vld [tilespmem:s14+$0xFFFFFF80];
	[tilespmem:v36+s25+$0x0] =	vst.idx.msk $0xffff, v63  }
0x77: {  	v38 =	vbroadcast v38, $0x0;
	v62 =	vadd.s32 v13, v42;
	v61 =	vld [tilespmem:s14+$0xFFFFFFC0];
	[tilespmem:v33+s25+$0x0] =	vst.idx.msk $0xffff, v48  }
0x78: {  	v39 =	vshrl.u32 v39, $0x3;
	v63 =	vadd.s32 v17, v44;
	v33 =	vld [tilespmem:s14+$0x0];
	[tilespmem:v50+s25+$0x0] =	vst.idx.msk $0xffff, v49  }
0x79: {  	v39 =	vshll.u32 v39, v1;
	v34 =	vld [tilespmem:s14+$0x40];
	[tilespmem:v56+s25+$0x0] =	vst.idx.msk $0xffff, v35;
	v56 =	vadd.s32 v21, v38  }
0x7a: {  	[tilespmem:v58+s25+$0x0] =	vst.idx.msk $0xffff, v57;
	v35 =	vbroadcast v39, $0x0;
	v49 =	vadd.s32 v30, v41;
	v39 =	vld [tilespmem:s14+$0xD0]  }
0x7b: {  	[tilespmem:v60+s25+$0x0] =	vst.idx.msk $0xffff, v59;
	v59 =	vld [tilespmem:s14+$0xFFFFFF50];
	v60 =	vadd.s32 v6, v47  }
0x7c: {  	v57 =	vld [tilespmem:s14+$0x80];
	[tilespmem:v62+s25+$0x0] =	vst.idx.msk $0xffff, v61;
	v58 =	vadd.s32 v25, v35  }
0x7d: {  	v61 =	vld [tilespmem:s14+$0xFFFFFF90];
	v62 =	vadd.s32 v10, v40;
	[tilespmem:v63+s25+$0x0] =	vst.idx.msk $0xffff, v33  }
0x7e: {  	v33 =	vld [tilespmem:s14+$0xFFFFFFD0];
	v63 =	vadd.s32 v14, v42;
	[tilespmem:v56+s25+$0x0] =	vst.idx.msk $0xffff, v34  }
0x7f: {  	v56 =	vadd.s32 v18, v44;
	[tilespmem:v49+s25+$0x0] =	vst.idx.msk $0xffff, v39;
	v49 =	vld [tilespmem:s14+$0x10]  }
0x80: {  	[tilespmem:v60+s25+$0x0] =	vst.idx.msk $0xffff, v59;
	v39 =	vadd.s32 v31, v41;
	v34 =	vld [tilespmem:s14+$0xE0]  }
0x81: {  	[tilespmem:v58+s25+$0x0] =	vst.idx.msk $0xffff, v57;
	v57 =	vld [tilespmem:s14+$0x50];
	v58 =	vadd.s32 v22, v38  }
0x82: {  	[tilespmem:v62+s25+$0x0] =	vst.idx.msk $0xffff, v61;
	v61 =	vld [tilespmem:s14+$0xFFFFFF10];
	v62 =	vadd.s32 v2, v46  }
0x83: {  	v60 =	vadd.s32 v26, v35;
	v59 =	vld [tilespmem:s14+$0x90];
	[tilespmem:v63+s25+$0x0] =	vst.idx.msk $0xffff, v33  }
0x84: {  	v55 =	vadd.s32 v11, v40;
	v54 =	vadd.s32 v32, v41;
	v41 =	vld [tilespmem:s14+$0xFFFFFFA0];
	[tilespmem:v56+s25+$0x0] =	vst.idx.msk $0xffff, v49  }
0x85: {  	v53 =	vadd.s32 v7, v47;
	v63 =	vld [tilespmem:s14+$0xFFFFFF60];
	[tilespmem:v39+s25+$0x0] =	vst.idx.msk $0xffff, v34  }
0x86: {  	v56 =	vld [tilespmem:s14+$0xFFFFFFE0];
	[tilespmem:v58+s25+$0x0] =	vst.idx.msk $0xffff, v57;
	v57 =	vadd.s32 v15, v42  }
0x87: {  	[tilespmem:v62+s25+$0x0] =	vst.idx.msk $0xffff, v61;
	v34 =	vld [tilespmem:s14+$0xF0]  }
0x88: {  	v58 =	vld [tilespmem:s14+$0x20];
	[tilespmem:v60+s25+$0x0] =	vst.idx.msk $0xffff, v59;
	v59 =	vadd.s32 v19, v44  }
0x89: {  	v61 =	vadd.s32 v23, v38;
	[tilespmem:v55+s25+$0x0] =	vst.idx.msk $0xffff, v41;
	v60 =	vld [tilespmem:s14+$0x60]  }
0x8a: {  	[tilespmem:v53+s25+$0x0] =	vst.idx.msk $0xffff, v63;
	v63 =	vadd.s32 v27, v35;
	v62 =	vld [tilespmem:s14+$0xA0]  }
0x8b: {  	v47 =	vadd.s32 v8, v47;
	v55 =	vld [tilespmem:s14+$0xFFFFFF70];
	[tilespmem:v57+s25+$0x0] =	vst.idx.msk $0xffff, v56  }
0x8c: {  	v53 =	vld [tilespmem:s14+$0xFFFFFF20];
	[tilespmem:v54+s25+$0x0] =	vst.idx.msk $0xffff, v34;
	v54 =	vadd.s32 v3, v46  }
0x8d: {  	v40 =	vadd.s32 v12, v40;
	v56 =	vld [tilespmem:s14+$0xFFFFFFB0];
	[tilespmem:v59+s25+$0x0] =	vst.idx.msk $0xffff, v58  }
0x8e: {  	v42 =	vadd.s32 v16, v42;
	v57 =	vld [tilespmem:s14+$0xFFFFFFF0];
	[tilespmem:v61+s25+$0x0] =	vst.idx.msk $0xffff, v60  }
0x8f: {  	v59 =	vadd.s32 v20, v44;
	v58 =	vld [tilespmem:s14+$0x30];
	[tilespmem:v63+s25+$0x0] =	vst.idx.msk $0xffff, v62  }
0x90: {  	v38 =	vadd.s32 v24, v38;
	v60 =	vld [tilespmem:s14+$0x70];
	[tilespmem:v47+s25+$0x0] =	vst.idx.msk $0xffff, v55  }
0x91: {  	v35 =	vadd.s32 v28, v35;
	v61 =	vld [tilespmem:s14+$0xB0];
	[tilespmem:v54+s25+$0x0] =	vst.idx.msk $0xffff, v53  }
0x92: {  	v63 =	vadd.s32 v4, v46;
	[tilespmem:v40+s25+$0x0] =	vst.idx.msk $0xffff, v56;
	v62 =	vld [tilespmem:s14+$0xFFFFFF30]  }
0x93: {  	s8 =	sadd.s32 s7, s16;
	[tilespmem:v42+s25+$0x0] =	vst.idx.msk $0xffff, v57  }
0x94: {  	s15 =	sshll.u32 s8, $0x7;
	[tilespmem:v59+s25+$0x0] =	vst.idx.msk $0xffff, v58  }
0x95: {  	s8 =	sshll.u32 s8, $0xA;
	[tilespmem:v38+s25+$0x0] =	vst.idx.msk $0xffff, v60;
	s14 =	sand.u32 $0x3F00, s15  }
0x96: {  	s8 =	sand.u32 $0xFFE0000, s8;
	[tilespmem:v35+s25+$0x0] =	vst.idx.msk $0xffff, v61;
	s14 =	sadd.s32 s2, s14  }
0x97: {  	s22 =	simm.s32 $0x10400;
	s24 =	sadd.s32 s8, s14;
	[tilespmem:v63+s25+$0x0] =	vst.idx.msk $0xffff, v62  }
0x98: {  	[hbm4b:s24+s3] =	stream.linear.scatter [tilespmem:s22], [sflag:$0x11], $0x80, $0x38;
	[tilespmem:$0x14800] =	vst v63  }
0x99: {  	s9 =	simm.s32 $0x10488;
	s14 =	sadd.s32 $0x10, s24  }
0x9a: {  	[hbm4b:s14+s3] =	stream.linear.scatter [tilespmem:s9], [sflag:$0x11], $0x80, $0x38;
	[tilespmem:$0x14800] =	vst v63  }
0x9b: {  	s15 =	sadd.s32 $0x20, s24;
	s14 =	simm.s32 $0x10510  }
0x9c: {  	[hbm4b:s15+s3] =	stream.linear.scatter [tilespmem:s14], [sflag:$0x11], $0x80, $0x38;
	[tilespmem:$0x14800] =	vst v63  }
0x9d: {  	s22 =	simm.s32 $0x10598;
	s9 =	sadd.s32 $0x30, s24  }
0x9e: {  	[hbm4b:s9+s3] =	stream.linear.scatter [tilespmem:s22], [sflag:$0x11], $0x80, $0x38;
	[tilespmem:$0x14800] =	vst v63  }
0x9f: {  	s14 =	simm.s32 $0x10620;
	s15 =	sadd.s32 $0x40, s24  }
0xa0: {  	[hbm4b:s15+s3] =	stream.linear.scatter [tilespmem:s14], [sflag:$0x11], $0x80, $0x38;
	[tilespmem:$0x14800] =	vst v63  }
0xa1: {  	s8 =	sadd.s32 $0x70, s24;
	s22 =	simm.s32 $0x106A8;
	s9 =	sadd.s32 $0x50, s24  }
0xa2: {  	[hbm4b:s9+s3] =	stream.linear.scatter [tilespmem:s22], [sflag:$0x11], $0x80, $0x38;
	[tilespmem:$0x14800] =	vst v63  }
0xa3: {  	s15 =	simm.s32 $0x10730;
	s14 =	simm.s32 $0x2200;
	s22 =	sadd.s32 $0x60, s24  }
0xa4: {  	[hbm4b:s22+s3] =	stream.linear.scatter [tilespmem:s15], [sflag:$0x11], $0x80, $0x38;
	[tilespmem:$0x14800] =	vst v63  }
0xa5: {  	s24 =	sadd.s32 $0x4000, s24;
	s22 =	simm.s32 $0x440;
	s15 =	simm.s32 $0x107B8  }
.LBB2_5:
0xa6: {  	[hbm4b:s8+s3] =	stream.linear.scatter [tilespmem:s15], [sflag:$0x11], $0x80, $0x38;
	[tilespmem:$0x14800] =	vst v63  }
0xa7: {  	s8 =	smov.u32 s22;
	s15 =	smov.u32 s14  }
0xa8: {  	s9 =	sadd.s32 $0x1100, s14;
	s22 =	sshra.s32 s15, $0x2;
	s15 =	sadd.s32 $0x10400, s8  }
0xa9: {  	[hbm4b:s24+s3] =	stream.linear.scatter [tilespmem:s15], [sflag:$0x11], $0x80, $0x38;
	[tilespmem:$0x14800] =	vst v63  }
0xaa: {  	p1 =	sne.s32 s14, $0x7700;
	s14 =	sadd.s32 $0x10488, s8;
	s15 =	sadd.s32 $0x10, s24  }
0xab: {  	[hbm4b:s15+s3] =	stream.linear.scatter [tilespmem:s14], [sflag:$0x11], $0x80, $0x38;
	[tilespmem:$0x14800] =	vst v63  }
0xac: {  	s14 =	sadd.s32 $0x10510, s8;
	s15 =	sadd.s32 $0x20, s24  }
0xad: {  	[hbm4b:s15+s3] =	stream.linear.scatter [tilespmem:s14], [sflag:$0x11], $0x80, $0x38;
	[tilespmem:$0x14800] =	vst v63  }
0xae: {  	s14 =	sadd.s32 $0x10598, s8;
	s15 =	sadd.s32 $0x30, s24  }
0xaf: {  	[hbm4b:s15+s3] =	stream.linear.scatter [tilespmem:s14], [sflag:$0x11], $0x80, $0x38;
	[tilespmem:$0x14800] =	vst v63  }
0xb0: {  	s14 =	sadd.s32 $0x10620, s8;
	s15 =	sadd.s32 $0x40, s24  }
0xb1: {  	[hbm4b:s15+s3] =	stream.linear.scatter [tilespmem:s14], [sflag:$0x11], $0x80, $0x38;
	[tilespmem:$0x14800] =	vst v63  }
0xb2: {  	s14 =	sadd.s32 $0x106A8, s8;
	s15 =	sadd.s32 $0x50, s24  }
0xb3: {  	[hbm4b:s15+s3] =	stream.linear.scatter [tilespmem:s14], [sflag:$0x11], $0x80, $0x38;
	[tilespmem:$0x14800] =	vst v63  }
.Ltmp1:
0xb4: {  	_ = 	snop;
	(pc) =	sbr.rel @p1 .LBB2_5-.Ltmp1, $4  }
0xb5: {  	s14 =	sadd.s32 $0x10730, s8;
	s15 =	sadd.s32 $0x60, s24  }
0xb6: {  	[hbm4b:s15+s3] =	stream.linear.scatter [tilespmem:s14], [sflag:$0x11], $0x80, $0x38;
	[tilespmem:$0x14800] =	vst v63  }
0xb7: {  	s15 =	sadd.s32 $0x107B8, s8  }
0xb8: {  	s8 =	sadd.s32 $0x70, s24;
	s24 =	sadd.s32 $0x4000, s24;
	s14 =	smov.u32 s9  }
0xb9: {  	[hbm4b:s8+s3] =	stream.linear.scatter [tilespmem:s15], [sflag:$0x11], $0x80, $0x38;
	[tilespmem:$0x14800] =	vst v63  }
0xba: {  	s14 =	sadd.s32 $0x10400, s22  }
0xbb: {  	[hbm4b:s24+s3] =	stream.linear.scatter [tilespmem:s14], [sflag:$0x11], $0x80, $0x38;
	[tilespmem:$0x14800] =	vst v63  }
0xbc: {  	s15 =	sadd.s32 $0x10488, s22;
	s9 =	sadd.s32 $0x10, s24  }
0xbd: {  	[hbm4b:s9+s3] =	stream.linear.scatter [tilespmem:s15], [sflag:$0x11], $0x80, $0x38;
	[tilespmem:$0x14800] =	vst v63  }
0xbe: {  	s14 =	sadd.s32 $0x10510, s22;
	s15 =	sadd.s32 $0x20, s24  }
0xbf: {  	[hbm4b:s15+s3] =	stream.linear.scatter [tilespmem:s14], [sflag:$0x11], $0x80, $0x38;
	[tilespmem:$0x14800] =	vst v63  }
0xc0: {  	s14 =	sadd.s32 $0x10598, s22;
	s15 =	sadd.s32 $0x30, s24  }
0xc1: {  	[hbm4b:s15+s3] =	stream.linear.scatter [tilespmem:s14], [sflag:$0x11], $0x80, $0x38;
	[tilespmem:$0x14800] =	vst v63  }
0xc2: {  	s14 =	sadd.s32 $0x10620, s22;
	s15 =	sadd.s32 $0x40, s24  }
0xc3: {  	[hbm4b:s15+s3] =	stream.linear.scatter [tilespmem:s14], [sflag:$0x11], $0x80, $0x38;
	[tilespmem:$0x14800] =	vst v63  }
0xc4: {  	s14 =	sadd.s32 $0x106A8, s22;
	s15 =	sadd.s32 $0x50, s24  }
0xc5: {  	[hbm4b:s15+s3] =	stream.linear.scatter [tilespmem:s14], [sflag:$0x11], $0x80, $0x38;
	[tilespmem:$0x14800] =	vst v63  }
0xc6: {  	p1 =	slt.u32 s0, $0x62;
	s14 =	sadd.s32 $0x10730, s22;
	s15 =	sadd.s32 $0x60, s24  }
0xc7: {  	[hbm4b:s15+s3] =	stream.linear.scatter [tilespmem:s14], [sflag:$0x11], $0x80, $0x38;
	[tilespmem:$0x14800] =	vst v63  }
0xc8: {  	s8 =	sxor.u32 @p1 $0x4, s20;
	s9 =	sadd.s32 $0x107B8, s22;
	s14 =	sadd.s32 $0x70, s24  }
0xc9: {  	[hbm4b:s14+s3] =	stream.linear.scatter [tilespmem:s9], [sflag:$0x11], $0x80, $0x38;
	[tilespmem:$0x14800] =	vst v63  }
0xca: {  	s9 =	sadd.s32 @p1 $0x1, s8  }
0xcb: {  	_ =	swait.ge @p1 [sflag:s9], $0x80  }
0xcc: {  	s15 =	simm.s32 @p1 $0x80;
	[sflag:s9] =	ssyncset.done @p1 $0x0  }
0xcd: {  	s24 =	sadd.s32 @p1 $0x5, s16;
	[sflag:s9] =	ssyncadd.s32 @p1 $0xFFFFFF80;
	s9 =	sshll.u32 @p1 s8, $0xD  }
0xce: {  	s14 =	sshll.u32 @p1 s8, $0x7;
	s8 =	sadd.s32 @p1 $0x9, s8;
	s9 =	sor.u32 @p1 $0x400, s9  }
0xcf: {  	[tilespmem:s9], [sflag:s8] =	stream.indirect.gather @p1 [hbm4b:s5+s15], $0x40, s14, s15, $0xb8;
	[tilespmem:$0x14800] =	vst v63  }
0xd0: {  	s22 =	simm.s32 $0x0;
	s8 =	sadd.s32 @p1 s7, s24  }
0xd1: {  	s20 =	sor.u32 $0x1, s16;
	v33 =	vmov s22;
	s22 =	simm.s32 $0x3;
	s8 =	sshll.u32 @p1 s8, $0x4  }
0xd2: {  	s9 =	sand.u32 @p1 $0x7, s24;
	s15 =	simm.s32 @p1 $0x0;
	s8 =	sand.u32 @p1 $0xFFFFFF0, s8  }
0xd3: {  	s14 =	sshll.u32 @p1 s9, $0x7;
	s9 =	sadd.s32 @p1 $0x1, s9;
	s8 =	sadd.s32 @p1 s4, s8  }
0xd4: {  	[tilespmem:s14], [sflag:s9] =	stream.linear.gather @p1 [hbm4b:s8+s15], $0x80, $0x38;
	[tilespmem:$0x14800] =	vst v63  }
0xd5: {  	v36 =	vmov s22;
	s22 =	simm.s32 $0x7;
	s15 =	sand.u32 $0x7, s20  }
0xd6: {  	v33 =	vshrl.u32 v33, $0x3;
	v38 =	vmov s22;
	s8 =	sadd.s32 $0x9, s15  }
0xd7: {  	v33 =	vshll.u32 v33, v1;
	v38 =	vshrl.u32 v38, $0x3;
	_ =	swait.ge [sflag:s8], $0x2000  }
0xd8: {  	s22 =	simm.s32 $0x6;
	v36 =	vshrl.u32 v36, $0x3;
	v33 =	vbroadcast v33, $0x0;
	v38 =	vshll.u32 v38, v1;
	[sflag:s8] =	ssyncset.done $0x0  }
0xd9: {  	v40 =	vmov s22;
	v52 =	vshll.u32 v36, v1;
	v38 =	vbroadcast v38, $0x0;
	s14 =	simm.s32 $0x1;
	[sflag:s8] =	ssyncadd.s32 $0xFFFFE000;
	s8 =	simm.s32 @!p0 $0x12  }
0xda: {  	v40 =	vshrl.u32 v40, $0x3;
	v44 =	vadd.s32 v0, v33;
	s15 =	simm.s32 $0x2;
	v34 =	vmov s14;
	_ =	swait.ge @!p0 [sflag:s8], $0x2000  }
0xdb: {  	v42 =	vadd.s32 v29, v38;
	v35 =	vmov s15;
	s15 =	simm.s32 $0x4;
	v34 =	vshrl.u32 v34, $0x3;
	[sflag:s8] =	ssyncset.done @!p0 $0x0  }
0xdc: {  	v37 =	vmov s15;
	s15 =	simm.s32 $0x5;
	v35 =	vshrl.u32 v35, $0x3;
	v34 =	vshll.u32 v34, v1;
	[sflag:s8] =	ssyncadd.s32 @!p0 $0xFFFFE000  }
0xdd: {  	v39 =	vmov s15;
	v47 =	vbroadcast v34, $0x0;
	v51 =	vshll.u32 v35, v1;
	v41 =	vld [tilespmem:s18+$0xFFFFFFD0]  }
0xde: {  	v37 =	vshrl.u32 v37, $0x3;
	v35 =	vbroadcast v52, $0x0;
	v53 =	vbroadcast v51, $0x0;
	v43 =	vld [tilespmem:s18+$0xFFFFFE10]  }
0xdf: {  	v54 =	vshll.u32 v37, v1;
	v55 =	vshrl.u32 v39, $0x3;
	v46 =	vadd.s32 v5, v47;
	v45 =	vld [tilespmem:s18+$0xFFFFFE50]  }
0xe0: {  	v34 =	vbroadcast v54, $0x0;
	v36 =	vshll.u32 v55, v1;
	v49 =	vadd.s32 v9, v53;
	v48 =	vld [tilespmem:s18+$0xFFFFFE90]  }
0xe1: {  	v56 =	vshll.u32 v40, v1;
	v50 =	vadd.s32 v13, v35;
	v37 =	vbroadcast v36, $0x0;
	v39 =	vld [tilespmem:s18+$0xFFFFFED0]  }
0xe2: {  	v36 =	vbroadcast v56, $0x0;
	v51 =	vld [tilespmem:s18+$0xFFFFFF10];
	v52 =	vadd.s32 v17, v34;
	[tilespmem:v42+s26+$0x0] =	vst.idx.msk $0xffff, v41  }
0xe3: {  	v59 =	vld [tilespmem:s18+$0xFFFFFF50];
	v60 =	vadd.s32 v21, v37;
	[tilespmem:v44+s26+$0x0] =	vst.idx.msk $0xffff, v43  }
0xe4: {  	v61 =	vld [tilespmem:s18+$0xFFFFFF90];
	v62 =	vadd.s32 v25, v36;
	[tilespmem:v46+s26+$0x0] =	vst.idx.msk $0xffff, v45  }
0xe5: {  	v58 =	vadd.s32 v30, v38;
	[tilespmem:v49+s26+$0x0] =	vst.idx.msk $0xffff, v48;
	v57 =	vld [tilespmem:s18+$0xFFFFFFE0]  }
0xe6: {  	v63 =	vadd.s32 v6, v47;
	[tilespmem:v50+s26+$0x0] =	vst.idx.msk $0xffff, v39;
	v46 =	vld [tilespmem:s18+$0xFFFFFE60]  }
0xe7: {  	v55 =	vadd.s32 v10, v53;
	[tilespmem:v52+s26+$0x0] =	vst.idx.msk $0xffff, v51;
	v54 =	vld [tilespmem:s18+$0xFFFFFEA0]  }
0xe8: {  	v56 =	vadd.s32 v14, v35;
	v50 =	vld [tilespmem:s18+$0xFFFFFEE0];
	[tilespmem:v60+s26+$0x0] =	vst.idx.msk $0xffff, v59  }
0xe9: {  	[tilespmem:v62+s26+$0x0] =	vst.idx.msk $0xffff, v61;
	v61 =	vld [tilespmem:s18+$0xFFFFFE20];
	v62 =	vadd.s32 v2, v33  }
0xea: {  	v59 =	vadd.s32 v18, v34;
	[tilespmem:v58+s26+$0x0] =	vst.idx.msk $0xffff, v57;
	v58 =	vld [tilespmem:s18+$0xFFFFFF20]  }
0xeb: {  	v57 =	vadd.s32 v31, v38;
	[tilespmem:v63+s26+$0x0] =	vst.idx.msk $0xffff, v46;
	v40 =	vld [tilespmem:s18+$0xFFFFFFF0]  }
0xec: {  	v45 =	vadd.s32 v22, v37;
	v44 =	vld [tilespmem:s18+$0xFFFFFF60];
	[tilespmem:v55+s26+$0x0] =	vst.idx.msk $0xffff, v54  }
0xed: {  	v60 =	vadd.s32 v26, v36;
	v63 =	vld [tilespmem:s18+$0xFFFFFFA0];
	[tilespmem:v56+s26+$0x0] =	vst.idx.msk $0xffff, v50  }
0xee: {  	v51 =	vadd.s32 v7, v47;
	[tilespmem:v62+s26+$0x0] =	vst.idx.msk $0xffff, v61;
	v50 =	vld [tilespmem:s18+$0xFFFFFE70]  }
0xef: {  	v56 =	vadd.s32 v11, v53;
	v55 =	vld [tilespmem:s18+$0xFFFFFEB0];
	[tilespmem:v59+s26+$0x0] =	vst.idx.msk $0xffff, v58  }
0xf0: {  	v58 =	vadd.s32 v15, v35;
	[tilespmem:v57+s26+$0x0] =	vst.idx.msk $0xffff, v40;
	v57 =	vld [tilespmem:s18+$0xFFFFFEF0]  }
0xf1: {  	v38 =	vadd.s32 v32, v38;
	[tilespmem:v45+s26+$0x0] =	vst.idx.msk $0xffff, v44;
	v52 =	vld [tilespmem:s18+$0x0]  }
0xf2: {  	[tilespmem:v60+s26+$0x0] =	vst.idx.msk $0xffff, v63;
	v60 =	vadd.s32 v19, v34;
	v59 =	vld [tilespmem:s18+$0xFFFFFF30]  }
0xf3: {  	s9 =	simm.s32 $0x8;
	s15 =	simm.s32 $0xA;
	v41 =	vadd.s32 v23, v37;
	v43 =	vadd.s32 v27, v36;
	[tilespmem:v51+s26+$0x0] =	vst.idx.msk $0xffff, v50;
	v40 =	vld [tilespmem:s18+$0xFFFFFF70]  }
0xf4: {  	s22 =	simm.s32 $0xB;
	v48 =	vadd.s32 v3, v33;
	v54 =	vmov s15;
	v63 =	vmov s9;
	v42 =	vld [tilespmem:s18+$0xFFFFFFB0];
	[tilespmem:v56+s26+$0x0] =	vst.idx.msk $0xffff, v55  }
0xf5: {  	s14 =	simm.s32 $0x9;
	v53 =	vadd.s32 v12, v53;
	v44 =	vmov s22;
	v45 =	vld [tilespmem:s18+$0xFFFFFE30];
	s9 =	simm.s32 $0xC;
	v39 =	vshrl.u32 v63, $0x3;
	[tilespmem:v58+s26+$0x0] =	vst.idx.msk $0xffff, v57  }
0xf6: {  	s15 =	simm.s32 $0xE;
	s22 =	sadd.s32 @!p1 $0x5, s16;
	v51 =	vmov s14;
	s14 =	simm.s32 $0xD;
	v46 =	vmov s9;
	v49 =	vld [tilespmem:s18+$0xFFFFFE80];
	[tilespmem:v38+s26+$0x0] =	vst.idx.msk $0xffff, v52;
	v52 =	vadd.s32 v8, v47  }
0xf7: {  	s22 =	smov.u32 @p1 s24;
	s24 =	simm.s32 $0x10;
	v50 =	vld [tilespmem:s18+$0xFFFFFEC0];
	[tilespmem:v60+s26+$0x0] =	vst.idx.msk $0xffff, v59;
	v38 =	vmov s14;
	v47 =	vshll.u32 v39, v1;
	v39 =	vmov s15;
	s14 =	simm.s32 $0xF  }
.LBB2_7:
0xf8: {  	p0 =	slt.u32 s24, $0x78;
	v51 =	vshrl.u32 v51, $0x3;
	v55 =	vmov s14;
	v56 =	vld [tilespmem:s18+$0xFFFFFF00];
	v35 =	vadd.s32 v16, v35;
	[tilespmem:v41+s26+$0x0] =	vst.idx.msk $0xffff, v40  }
0xf9: {  	v40 =	vshrl.u32 v54, $0x3;
	v34 =	vadd.s32 v20, v34;
	v41 =	vshrl.u32 v55, $0x3;
	v54 =	vld [tilespmem:s18+$0xFFFFFF40];
	[tilespmem:v43+s26+$0x0] =	vst.idx.msk $0xffff, v42  }
0xfa: {  	v37 =	vadd.s32 v24, v37;
	v42 =	vshrl.u32 v44, $0x3;
	v41 =	vshll.u32 v41, v1;
	[tilespmem:v48+s26+$0x0] =	vst.idx.msk $0xffff, v45;
	v43 =	vld [tilespmem:s18+$0xFFFFFF80]  }
0xfb: {  	v36 =	vadd.s32 v28, v36;
	v44 =	vshrl.u32 v46, $0x3;
	v41 =	vbroadcast v41, $0x0;
	[tilespmem:v52+s26+$0x0] =	vst.idx.msk $0xffff, v49;
	v45 =	vld [tilespmem:s18+$0xFFFFFFC0]  }
0xfc: {  	v46 =	vshll.u32 v51, v1;
	v49 =	vadd.s32 v4, v33;
	v33 =	vbroadcast v47, $0x0;
	v48 =	vld [tilespmem:s18+$0xFFFFFE40];
	[tilespmem:v53+s26+$0x0] =	vst.idx.msk $0xffff, v50;
	s18 =	sadd.s32 $0x200, s18  }
0xfd: {  	v40 =	vshll.u32 v40, v1;
	v47 =	vbroadcast v46, $0x0;
	v46 =	vld [tilespmem:s18+$0xFFFFFFD0];
	v50 =	vadd.s32 v29, v41;
	[tilespmem:v35+s26+$0x0] =	vst.idx.msk $0xffff, v56  }
0xfe: {  	v53 =	vbroadcast v40, $0x0;
	v52 =	vadd.s32 v0, v33;
	v35 =	vshll.u32 v42, v1;
	v51 =	vld [tilespmem:s18+$0xFFFFFE10];
	[tilespmem:v34+s26+$0x0] =	vst.idx.msk $0xffff, v54  }
0xff: {  	v42 =	vadd.s32 v5, v47;
	v35 =	vbroadcast v35, $0x0;
	v34 =	vshll.u32 v44, v1;
	v40 =	vld [tilespmem:s18+$0xFFFFFE50];
	[tilespmem:v37+s26+$0x0] =	vst.idx.msk $0xffff, v43  }
0x100: {  	v44 =	vadd.s32 v9, v53;
	v34 =	vbroadcast v34, $0x0;
	v37 =	vshrl.u32 v38, $0x3;
	v43 =	vld [tilespmem:s18+$0xFFFFFE90];
	[tilespmem:v36+s26+$0x0] =	vst.idx.msk $0xffff, v45  }
0x101: {  	v39 =	vshrl.u32 v39, $0x3;
	v45 =	vadd.s32 v13, v35;
	v36 =	vshll.u32 v37, v1;
	v38 =	vld [tilespmem:s18+$0xFFFFFED0];
	[tilespmem:v49+s26+$0x0] =	vst.idx.msk $0xffff, v48  }
0x102: {  	v49 =	vadd.s32 v17, v34;
	v37 =	vbroadcast v36, $0x0;
	v36 =	vshll.u32 v39, v1;
	v48 =	vld [tilespmem:s18+$0xFFFFFF10];
	[tilespmem:v50+s26+$0x0] =	vst.idx.msk $0xffff, v46  }
0x103: {  	v36 =	vbroadcast v36, $0x0;
	v46 =	vadd.s32 v30, v41;
	[tilespmem:v52+s26+$0x0] =	vst.idx.msk $0xffff, v51;
	v39 =	vld [tilespmem:s18+$0xFFFFFFE0]  }
0x104: {  	[tilespmem:v42+s26+$0x0] =	vst.idx.msk $0xffff, v40;
	v40 =	vld [tilespmem:s18+$0xFFFFFF50];
	v42 =	vadd.s32 v21, v37  }
0x105: {  	[tilespmem:v44+s26+$0x0] =	vst.idx.msk $0xffff, v43;
	v43 =	vld [tilespmem:s18+$0xFFFFFF90];
	v44 =	vadd.s32 v25, v36  }
0x106: {  	v51 =	vadd.s32 v6, v47;
	v50 =	vld [tilespmem:s18+$0xFFFFFE60];
	[tilespmem:v45+s26+$0x0] =	vst.idx.msk $0xffff, v38  }
0x107: {  	v45 =	vadd.s32 v10, v53;
	v38 =	vld [tilespmem:s18+$0xFFFFFEA0];
	[tilespmem:v49+s26+$0x0] =	vst.idx.msk $0xffff, v48  }
0x108: {  	v49 =	vadd.s32 v14, v35;
	v48 =	vld [tilespmem:s18+$0xFFFFFEE0];
	[tilespmem:v46+s26+$0x0] =	vst.idx.msk $0xffff, v39  }
0x109: {  	[tilespmem:v42+s26+$0x0] =	vst.idx.msk $0xffff, v40;
	v39 =	vld [tilespmem:s18+$0xFFFFFFF0];
	v40 =	vadd.s32 v31, v41  }
0x10a: {  	v46 =	vadd.s32 v18, v34;
	v42 =	vld [tilespmem:s18+$0xFFFFFF20];
	[tilespmem:v44+s26+$0x0] =	vst.idx.msk $0xffff, v43  }
0x10b: {  	v44 =	vadd.s32 v22, v37;
	[tilespmem:v51+s26+$0x0] =	vst.idx.msk $0xffff, v50;
	v43 =	vld [tilespmem:s18+$0xFFFFFF60]  }
0x10c: {  	[tilespmem:v45+s26+$0x0] =	vst.idx.msk $0xffff, v38;
	v38 =	vld [tilespmem:s18+$0xFFFFFFA0];
	v45 =	vadd.s32 v26, v36  }
0x10d: {  	v51 =	vadd.s32 v2, v33;
	v50 =	vld [tilespmem:s18+$0xFFFFFE20];
	[tilespmem:v49+s26+$0x0] =	vst.idx.msk $0xffff, v48  }
0x10e: {  	v49 =	vadd.s32 v7, v47;
	v48 =	vld [tilespmem:s18+$0xFFFFFE70];
	[tilespmem:v40+s26+$0x0] =	vst.idx.msk $0xffff, v39  }
0x10f: {  	[tilespmem:v46+s26+$0x0] =	vst.idx.msk $0xffff, v42;
	v39 =	vld [tilespmem:s18+$0x0];
	v46 =	vadd.s32 v32, v41  }
0x110: {  	v55 =	vadd.s32 v11, v53;
	v52 =	vld [tilespmem:s18+$0xFFFFFEB0];
	[tilespmem:v44+s26+$0x0] =	vst.idx.msk $0xffff, v43  }
0x111: {  	v57 =	vadd.s32 v15, v35;
	v56 =	vld [tilespmem:s18+$0xFFFFFEF0];
	[tilespmem:v45+s26+$0x0] =	vst.idx.msk $0xffff, v38  }
0x112: {  	v59 =	vadd.s32 v19, v34;
	[tilespmem:v51+s26+$0x0] =	vst.idx.msk $0xffff, v50;
	v58 =	vld [tilespmem:s18+$0xFFFFFF30]  }
.Ltmp2:
0x113: {  	s8 =	sadd.s32 $0x1, s24;
	v41 =	vadd.s32 v23, v37;
	v38 =	vmov s24;
	[tilespmem:v49+s26+$0x0] =	vst.idx.msk $0xffff, v48;
	v40 =	vld [tilespmem:s18+$0xFFFFFF70];
	(pc) =	sbr.rel @p0 .LBB2_7-.Ltmp2, $4  }
0x114: {  	s9 =	sadd.s32 $0x3, s24;
	v43 =	vadd.s32 v27, v36;
	v50 =	vshrl.u32 v38, $0x3;
	v51 =	vmov s8;
	s8 =	sadd.s32 $0x2, s24;
	v42 =	vld [tilespmem:s18+$0xFFFFFFB0];
	[tilespmem:v46+s26+$0x0] =	vst.idx.msk $0xffff, v39  }
0x115: {  	v44 =	vmov s9;
	s9 =	sadd.s32 $0x5, s24;
	v54 =	vmov s8;
	s8 =	sadd.s32 $0x4, s24;
	v48 =	vadd.s32 v3, v33;
	v45 =	vld [tilespmem:s18+$0xFFFFFE30];
	[tilespmem:v55+s26+$0x0] =	vst.idx.msk $0xffff, v52  }
0x116: {  	v38 =	vmov s9;
	v46 =	vmov s8;
	s8 =	sadd.s32 $0x6, s24;
	v52 =	vadd.s32 v8, v47;
	v49 =	vld [tilespmem:s18+$0xFFFFFE80];
	[tilespmem:v57+s26+$0x0] =	vst.idx.msk $0xffff, v56  }
0x117: {  	s14 =	sadd.s32 $0x7, s24;
	v53 =	vadd.s32 v12, v53;
	s24 =	sadd.s32 $0x8, s24;
	v47 =	vshll.u32 v50, v1;
	v39 =	vmov s8;
	v50 =	vld [tilespmem:s18+$0xFFFFFEC0];
	[tilespmem:v59+s26+$0x0] =	vst.idx.msk $0xffff, v58  }
0x118: {  	_ =	sdelay $0x2  }
0x119: {  	v51 =	vshrl.u32 v51, $0x3  }
0x11a: {  	v55 =	vmov s14;
	v56 =	vld [tilespmem:s18+$0xFFFFFF00];
	v35 =	vadd.s32 v16, v35;
	[tilespmem:v41+s26+$0x0] =	vst.idx.msk $0xffff, v40;
	v57 =	vshrl.u32 v54, $0x3  }
0x11b: {  	v59 =	vld [tilespmem:s18+$0xFFFFFF40];
	v34 =	vadd.s32 v20, v34;
	v60 =	vshrl.u32 v44, $0x3;
	v58 =	vshrl.u32 v55, $0x3;
	[tilespmem:v43+s26+$0x0] =	vst.idx.msk $0xffff, v42  }
0x11c: {  	v37 =	vadd.s32 v24, v37;
	v62 =	vshrl.u32 v46, $0x3;
	v61 =	vld [tilespmem:s18+$0xFFFFFF80];
	v41 =	vshll.u32 v58, v1;
	[tilespmem:v48+s26+$0x0] =	vst.idx.msk $0xffff, v45  }
0x11d: {  	v36 =	vadd.s32 v28, v36;
	v46 =	vbroadcast v47, $0x0;
	v63 =	vld [tilespmem:s18+$0xFFFFFFC0];
	v41 =	vbroadcast v41, $0x0;
	[tilespmem:v52+s26+$0x0] =	vst.idx.msk $0xffff, v49  }
0x11e: {  	v33 =	vadd.s32 v4, v33;
	s9 =	sadd.s32 $0x200, s18;
	v38 =	vshrl.u32 v38, $0x3;
	v55 =	vshll.u32 v51, v1;
	v48 =	vld [tilespmem:s18+$0xFFFFFE40];
	[tilespmem:v53+s26+$0x0] =	vst.idx.msk $0xffff, v50  }
0x11f: {  	v40 =	vshll.u32 v57, v1;
	v47 =	vbroadcast v55, $0x0;
	v49 =	vld [tilespmem:s9+$0xFFFFFFD0];
	v50 =	vadd.s32 v29, v41;
	[tilespmem:v35+s26+$0x0] =	vst.idx.msk $0xffff, v56  }
0x120: {  	v42 =	vshll.u32 v60, v1;
	v40 =	vbroadcast v40, $0x0;
	v35 =	vld [tilespmem:s9+$0xFFFFFE10];
	v56 =	vadd.s32 v0, v46;
	[tilespmem:v34+s26+$0x0] =	vst.idx.msk $0xffff, v59  }
0x121: {  	v57 =	vld [tilespmem:s9+$0xFFFFFE50];
	v44 =	vshll.u32 v62, v1;
	v42 =	vbroadcast v42, $0x0;
	v58 =	vadd.s32 v5, v47;
	[tilespmem:v37+s26+$0x0] =	vst.idx.msk $0xffff, v61  }
0x122: {  	v38 =	vshll.u32 v38, v1;
	v44 =	vbroadcast v44, $0x0;
	v60 =	vadd.s32 v9, v40;
	v59 =	vld [tilespmem:s9+$0xFFFFFE90];
	[tilespmem:v36+s26+$0x0] =	vst.idx.msk $0xffff, v63  }
0x123: {  	v38 =	vbroadcast v38, $0x0;
	v62 =	vadd.s32 v13, v42;
	v61 =	vld [tilespmem:s9+$0xFFFFFED0];
	[tilespmem:v33+s26+$0x0] =	vst.idx.msk $0xffff, v48  }
0x124: {  	v39 =	vshrl.u32 v39, $0x3;
	v63 =	vadd.s32 v17, v44;
	v33 =	vld [tilespmem:s9+$0xFFFFFF10];
	[tilespmem:v50+s26+$0x0] =	vst.idx.msk $0xffff, v49  }
0x125: {  	v39 =	vshll.u32 v39, v1;
	v34 =	vld [tilespmem:s9+$0xFFFFFF50];
	[tilespmem:v56+s26+$0x0] =	vst.idx.msk $0xffff, v35;
	v56 =	vadd.s32 v21, v38  }
0x126: {  	[tilespmem:v58+s26+$0x0] =	vst.idx.msk $0xffff, v57;
	v35 =	vbroadcast v39, $0x0;
	v49 =	vadd.s32 v30, v41;
	v39 =	vld [tilespmem:s9+$0xFFFFFFE0]  }
0x127: {  	[tilespmem:v60+s26+$0x0] =	vst.idx.msk $0xffff, v59;
	v59 =	vld [tilespmem:s9+$0xFFFFFE60];
	v60 =	vadd.s32 v6, v47  }
0x128: {  	v57 =	vld [tilespmem:s9+$0xFFFFFF90];
	[tilespmem:v62+s26+$0x0] =	vst.idx.msk $0xffff, v61;
	v58 =	vadd.s32 v25, v35  }
0x129: {  	v61 =	vld [tilespmem:s9+$0xFFFFFEA0];
	v62 =	vadd.s32 v10, v40;
	[tilespmem:v63+s26+$0x0] =	vst.idx.msk $0xffff, v33  }
0x12a: {  	v33 =	vld [tilespmem:s9+$0xFFFFFEE0];
	v63 =	vadd.s32 v14, v42;
	[tilespmem:v56+s26+$0x0] =	vst.idx.msk $0xffff, v34  }
0x12b: {  	v56 =	vadd.s32 v18, v44;
	[tilespmem:v49+s26+$0x0] =	vst.idx.msk $0xffff, v39;
	v49 =	vld [tilespmem:s9+$0xFFFFFF20]  }
0x12c: {  	[tilespmem:v60+s26+$0x0] =	vst.idx.msk $0xffff, v59;
	v39 =	vadd.s32 v31, v41;
	v34 =	vld [tilespmem:s9+$0xFFFFFFF0]  }
0x12d: {  	[tilespmem:v58+s26+$0x0] =	vst.idx.msk $0xffff, v57;
	v57 =	vld [tilespmem:s9+$0xFFFFFF60];
	v58 =	vadd.s32 v22, v38  }
0x12e: {  	[tilespmem:v62+s26+$0x0] =	vst.idx.msk $0xffff, v61;
	v61 =	vld [tilespmem:s9+$0xFFFFFE20];
	v62 =	vadd.s32 v2, v46  }
0x12f: {  	v60 =	vadd.s32 v26, v35;
	v59 =	vld [tilespmem:s9+$0xFFFFFFA0];
	[tilespmem:v63+s26+$0x0] =	vst.idx.msk $0xffff, v33  }
0x130: {  	v55 =	vadd.s32 v11, v40;
	v54 =	vadd.s32 v32, v41;
	v41 =	vld [tilespmem:s9+$0xFFFFFEB0];
	[tilespmem:v56+s26+$0x0] =	vst.idx.msk $0xffff, v49  }
0x131: {  	v53 =	vadd.s32 v7, v47;
	v63 =	vld [tilespmem:s9+$0xFFFFFE70];
	[tilespmem:v39+s26+$0x0] =	vst.idx.msk $0xffff, v34  }
0x132: {  	v56 =	vld [tilespmem:s9+$0xFFFFFEF0];
	[tilespmem:v58+s26+$0x0] =	vst.idx.msk $0xffff, v57;
	v57 =	vadd.s32 v15, v42  }
0x133: {  	[tilespmem:v62+s26+$0x0] =	vst.idx.msk $0xffff, v61;
	v34 =	vld [tilespmem:s9+$0x0]  }
0x134: {  	v58 =	vld [tilespmem:s9+$0xFFFFFF30];
	[tilespmem:v60+s26+$0x0] =	vst.idx.msk $0xffff, v59;
	v59 =	vadd.s32 v19, v44  }
0x135: {  	v61 =	vadd.s32 v23, v38;
	[tilespmem:v55+s26+$0x0] =	vst.idx.msk $0xffff, v41;
	v60 =	vld [tilespmem:s9+$0xFFFFFF70]  }
0x136: {  	[tilespmem:v53+s26+$0x0] =	vst.idx.msk $0xffff, v63;
	v63 =	vadd.s32 v27, v35;
	v62 =	vld [tilespmem:s9+$0xFFFFFFB0]  }
0x137: {  	v47 =	vadd.s32 v8, v47;
	v55 =	vld [tilespmem:s9+$0xFFFFFE80];
	[tilespmem:v57+s26+$0x0] =	vst.idx.msk $0xffff, v56  }
0x138: {  	v53 =	vld [tilespmem:s9+$0xFFFFFE30];
	[tilespmem:v54+s26+$0x0] =	vst.idx.msk $0xffff, v34;
	v54 =	vadd.s32 v3, v46  }
0x139: {  	v40 =	vadd.s32 v12, v40;
	v56 =	vld [tilespmem:s9+$0xFFFFFEC0];
	[tilespmem:v59+s26+$0x0] =	vst.idx.msk $0xffff, v58  }
0x13a: {  	v42 =	vadd.s32 v16, v42;
	v57 =	vld [tilespmem:s9+$0xFFFFFF00];
	[tilespmem:v61+s26+$0x0] =	vst.idx.msk $0xffff, v60  }
0x13b: {  	v59 =	vadd.s32 v20, v44;
	v58 =	vld [tilespmem:s9+$0xFFFFFF40];
	[tilespmem:v63+s26+$0x0] =	vst.idx.msk $0xffff, v62  }
0x13c: {  	v38 =	vadd.s32 v24, v38;
	v60 =	vld [tilespmem:s9+$0xFFFFFF80];
	[tilespmem:v47+s26+$0x0] =	vst.idx.msk $0xffff, v55  }
0x13d: {  	v35 =	vadd.s32 v28, v35;
	v61 =	vld [tilespmem:s9+$0xFFFFFFC0];
	[tilespmem:v54+s26+$0x0] =	vst.idx.msk $0xffff, v53  }
0x13e: {  	v63 =	vadd.s32 v4, v46;
	[tilespmem:v40+s26+$0x0] =	vst.idx.msk $0xffff, v56;
	v62 =	vld [tilespmem:s9+$0xFFFFFE40]  }
0x13f: {  	s8 =	sadd.s32 s7, s20;
	[tilespmem:v42+s26+$0x0] =	vst.idx.msk $0xffff, v57  }
0x140: {  	[tilespmem:v59+s26+$0x0] =	vst.idx.msk $0xffff, v58;
	s9 =	sshll.u32 s8, $0x7  }
0x141: {  	[tilespmem:v38+s26+$0x0] =	vst.idx.msk $0xffff, v60;
	s8 =	sshll.u32 s8, $0xA;
	s9 =	sand.u32 $0x3F80, s9  }
0x142: {  	[tilespmem:v35+s26+$0x0] =	vst.idx.msk $0xffff, v61;
	s8 =	sand.u32 $0xFFE0000, s8;
	s9 =	sadd.s32 s2, s9  }
0x143: {  	s14 =	simm.s32 $0x12600;
	s9 =	sadd.s32 s8, s9;
	[tilespmem:v63+s26+$0x0] =	vst.idx.msk $0xffff, v62  }
0x144: {  	[hbm4b:s9+s3] =	stream.linear.scatter [tilespmem:s14], [sflag:$0x12], $0x80, $0x38;
	[tilespmem:$0x14800] =	vst v63  }
0x145: {  	s15 =	simm.s32 $0x12688;
	s18 =	sadd.s32 $0x10, s9  }
0x146: {  	[hbm4b:s18+s3] =	stream.linear.scatter [tilespmem:s15], [sflag:$0x12], $0x80, $0x38;
	[tilespmem:$0x14800] =	vst v63  }
0x147: {  	s20 =	simm.s32 $0x12710;
	s24 =	sadd.s32 $0x20, s9  }
0x148: {  	[hbm4b:s24+s3] =	stream.linear.scatter [tilespmem:s20], [sflag:$0x12], $0x80, $0x38;
	[tilespmem:$0x14800] =	vst v63  }
0x149: {  	s15 =	simm.s32 $0x12798;
	s18 =	sadd.s32 $0x30, s9  }
0x14a: {  	[hbm4b:s18+s3] =	stream.linear.scatter [tilespmem:s15], [sflag:$0x12], $0x80, $0x38;
	[tilespmem:$0x14800] =	vst v63  }
0x14b: {  	s20 =	simm.s32 $0x12820;
	s24 =	sadd.s32 $0x40, s9  }
0x14c: {  	[hbm4b:s24+s3] =	stream.linear.scatter [tilespmem:s20], [sflag:$0x12], $0x80, $0x38;
	[tilespmem:$0x14800] =	vst v63  }
0x14d: {  	s8 =	sadd.s32 $0x70, s9;
	s15 =	simm.s32 $0x128A8;
	s18 =	sadd.s32 $0x50, s9  }
0x14e: {  	[hbm4b:s18+s3] =	stream.linear.scatter [tilespmem:s15], [sflag:$0x12], $0x80, $0x38;
	[tilespmem:$0x14800] =	vst v63  }
0x14f: {  	s14 =	simm.s32 $0x2200;
	s20 =	simm.s32 $0x12930;
	s24 =	sadd.s32 $0x60, s9  }
0x150: {  	[hbm4b:s24+s3] =	stream.linear.scatter [tilespmem:s20], [sflag:$0x12], $0x80, $0x38;
	[tilespmem:$0x14800] =	vst v63  }
0x151: {  	s18 =	simm.s32 $0x440;
	s15 =	simm.s32 $0x129B8;
	s20 =	sadd.s32 $0x4000, s9  }
.LBB2_9:
0x152: {  	[hbm4b:s8+s3] =	stream.linear.scatter [tilespmem:s15], [sflag:$0x12], $0x80, $0x38;
	[tilespmem:$0x14800] =	vst v63  }
0x153: {  	s8 =	smov.u32 s18;
	s9 =	smov.u32 s14  }
0x154: {  	s18 =	sshra.s32 s9, $0x2;
	s9 =	sadd.s32 $0x1100, s14;
	s15 =	sadd.s32 $0x12600, s8  }
0x155: {  	[hbm4b:s20+s3] =	stream.linear.scatter [tilespmem:s15], [sflag:$0x12], $0x80, $0x38;
	[tilespmem:$0x14800] =	vst v63  }
0x156: {  	p0 =	sne.s32 s14, $0x7700;
	s14 =	sadd.s32 $0x12688, s8;
	s15 =	sadd.s32 $0x10, s20  }
0x157: {  	[hbm4b:s15+s3] =	stream.linear.scatter [tilespmem:s14], [sflag:$0x12], $0x80, $0x38;
	[tilespmem:$0x14800] =	vst v63  }
0x158: {  	s14 =	sadd.s32 $0x12710, s8;
	s15 =	sadd.s32 $0x20, s20  }
0x159: {  	[hbm4b:s15+s3] =	stream.linear.scatter [tilespmem:s14], [sflag:$0x12], $0x80, $0x38;
	[tilespmem:$0x14800] =	vst v63  }
0x15a: {  	s14 =	sadd.s32 $0x12798, s8;
	s15 =	sadd.s32 $0x30, s20  }
0x15b: {  	[hbm4b:s15+s3] =	stream.linear.scatter [tilespmem:s14], [sflag:$0x12], $0x80, $0x38;
	[tilespmem:$0x14800] =	vst v63  }
0x15c: {  	s14 =	sadd.s32 $0x12820, s8;
	s15 =	sadd.s32 $0x40, s20  }
0x15d: {  	[hbm4b:s15+s3] =	stream.linear.scatter [tilespmem:s14], [sflag:$0x12], $0x80, $0x38;
	[tilespmem:$0x14800] =	vst v63  }
0x15e: {  	s14 =	sadd.s32 $0x128A8, s8;
	s15 =	sadd.s32 $0x50, s20  }
0x15f: {  	[hbm4b:s15+s3] =	stream.linear.scatter [tilespmem:s14], [sflag:$0x12], $0x80, $0x38;
	[tilespmem:$0x14800] =	vst v63  }
.Ltmp3:
0x160: {  	_ = 	snop;
	(pc) =	sbr.rel @p0 .LBB2_9-.Ltmp3, $4  }
0x161: {  	s14 =	sadd.s32 $0x12930, s8;
	s15 =	sadd.s32 $0x60, s20  }
0x162: {  	[hbm4b:s15+s3] =	stream.linear.scatter [tilespmem:s14], [sflag:$0x12], $0x80, $0x38;
	[tilespmem:$0x14800] =	vst v63  }
0x163: {  	s15 =	sadd.s32 $0x129B8, s8  }
0x164: {  	s8 =	sadd.s32 $0x70, s20;
	s20 =	sadd.s32 $0x4000, s20;
	s14 =	smov.u32 s9  }
0x165: {  	[hbm4b:s8+s3] =	stream.linear.scatter [tilespmem:s15], [sflag:$0x12], $0x80, $0x38;
	[tilespmem:$0x14800] =	vst v63  }
0x166: {  	s15 =	sadd.s32 $0x12600, s18  }
0x167: {  	[hbm4b:s20+s3] =	stream.linear.scatter [tilespmem:s15], [sflag:$0x12], $0x80, $0x38;
	[tilespmem:$0x14800] =	vst v63  }
0x168: {  	s24 =	sadd.s32 $0x12688, s18;
	s9 =	sadd.s32 $0x10, s20  }
0x169: {  	[hbm4b:s9+s3] =	stream.linear.scatter [tilespmem:s24], [sflag:$0x12], $0x80, $0x38;
	[tilespmem:$0x14800] =	vst v63  }
0x16a: {  	s14 =	sadd.s32 $0x20, s20;
	s9 =	sadd.s32 $0x12710, s18  }
0x16b: {  	[hbm4b:s14+s3] =	stream.linear.scatter [tilespmem:s9], [sflag:$0x12], $0x80, $0x38;
	[tilespmem:$0x14800] =	vst v63  }
0x16c: {  	s15 =	sadd.s32 $0x12798, s18;
	s24 =	sadd.s32 $0x30, s20  }
0x16d: {  	[hbm4b:s24+s3] =	stream.linear.scatter [tilespmem:s15], [sflag:$0x12], $0x80, $0x38;
	[tilespmem:$0x14800] =	vst v63  }
0x16e: {  	s9 =	sadd.s32 $0x12820, s18;
	s14 =	sadd.s32 $0x40, s20  }
0x16f: {  	[hbm4b:s14+s3] =	stream.linear.scatter [tilespmem:s9], [sflag:$0x12], $0x80, $0x38;
	[tilespmem:$0x14800] =	vst v63  }
0x170: {  	p0 =	sgt.u32 s0, $0x61;
	s15 =	sadd.s32 $0x128A8, s18;
	s24 =	sadd.s32 $0x50, s20  }
0x171: {  	[hbm4b:s24+s3] =	stream.linear.scatter [tilespmem:s15], [sflag:$0x12], $0x80, $0x38;
	[tilespmem:$0x14800] =	vst v63  }
0x172: {  	s8 =	sand.u32 @!p0 $0x7, s22;
	s14 =	sadd.s32 $0x12930, s18;
	s15 =	sadd.s32 $0x60, s20  }
0x173: {  	[hbm4b:s15+s3] =	stream.linear.scatter [tilespmem:s14], [sflag:$0x12], $0x80, $0x38;
	[tilespmem:$0x14800] =	vst v63  }
0x174: {  	s18 =	sadd.s32 $0x129B8, s18;
	s9 =	sadd.s32 @!p0 $0x1, s8;
	s24 =	sadd.s32 $0x70, s20  }
0x175: {  	[hbm4b:s24+s3] =	stream.linear.scatter [tilespmem:s18], [sflag:$0x12], $0x80, $0x38;
	[tilespmem:$0x14800] =	vst v63  }
0x176: {  	_ =	swait.ge @!p0 [sflag:s9], $0x80  }
0x177: {  	p1 =	seq.s32 @!p0 s0, $0x61;
	[sflag:s9] =	ssyncset.done @!p0 $0x0  }
0x178: {  	s14 =	sshll.u32 @!p0 s8, $0x7;
	[sflag:s9] =	ssyncadd.s32 @!p0 $0xFFFFFF80;
	s9 =	sshll.u32 @!p0 s8, $0xD  }
0x179: {  	s15 =	simm.s32 @!p0 $0x80;
	s8 =	sadd.s32 @!p0 $0x9, s8;
	s9 =	sor.u32 @!p0 $0x400, s9  }
0x17a: {  	[tilespmem:s9], [sflag:s8] =	stream.indirect.gather @!p0 [hbm4b:s5+s15], $0x40, s14, s15, $0xb8;
	[tilespmem:$0x14800] =	vst v63  }
0x17b: {  	p0 =	por p1, p0  }
0x17c: {  	s8 =	sadd.s32 @!p0 $0x6, s16  }
0x17d: {  	s9 =	sadd.s32 @!p0 s7, s8  }
0x17e: {  	s0 =	sadd.s32 $0x1, s0;
	s9 =	sshll.u32 @!p0 s9, $0x4  }
0x17f: {  	s15 =	simm.s32 @!p0 $0x0;
	s8 =	sand.u32 @!p0 $0x6, s8;
	s9 =	sand.u32 @!p0 $0xFFFFFE0, s9  }
0x180: {  	s14 =	sshll.u32 @!p0 s8, $0x7;
	s8 =	sor.u32 @!p0 $0x1, s8;
	s9 =	sadd.s32 @!p0 s4, s9  }
0x181: {  	[tilespmem:s14], [sflag:s8] =	stream.linear.gather @!p0 [hbm4b:s9+s15], $0x80, $0x38;
	[tilespmem:$0x14800] =	vst v63  }
0x182: {  	p0 =	sne.s32 s0, $0x64  }
.Ltmp4:
0x183: {  	_ = 	snop;
	(pc) =	sbr.rel @p0 .LBB2_2-.Ltmp4, $2  }
0x184: {  	_ =	sdelay $0x2  }
0x185: {  	s1 =	sadd.s32 $0x1, s1;
	s31 =	sadd.s32 $0x2, s31  }
0x186: {  	s30 =	sadd.s32 $0x1, s30  }
0x187: {  	_ =	swait.ge [sflag:s28], $0x2000;
	p0 =	sne.s32 s30, s12  }
.Ltmp5:
0x188: {  	[sflag:s28] =	ssyncset.done $0x0;
	(pc) =	sbr.rel @p0 .LBB2_1-.Ltmp5, $4  }
0x189: {  	[sflag:s28] =	ssyncadd.s32 $0xFFFFE000  }
0x18a: {  	_ =	swait.ge [sflag:s29], $0x2000  }
0x18b: {  	[sflag:s29] =	ssyncset.done $0x0  }
0x18c: {  	[sflag:s29] =	ssyncadd.s32 $0xFFFFE000  }
0x18d: {  	_ =	sfence.sel $0x180000  }
0x18e: {  	[bflag:$0x0] =	sbarrier.arrive $0xFFFF  }
0x18f: {  	_ =	strace $0x90000047  }
0x190: {  	s0 =	stileid.u32;
	[bflag:$0x2] =	sbarrier.arrive $0xFFFF  }
0x191: {  	p0 =	sne.s32 s0, $0x0;
	s0 =	rddreg [dreg:$0x2]  }
0x192: {  	s0 =	sadd.s32 @!p0 $0x100000, s0  }
0x193: {  	[sflag:s0] =	ssyncadd.tile.s32 @!p0 $0x1;
	_ =	shalt  }
.Lfunc_end2:
_tile_overlayer_lowered:
.L_overlay_start_2:
0x194: {  	(tag) =	ssettag $0x2  }
0x195: {  	s0 =	rddreg [dreg:$0x0];
	s2 =	stileid.u32  }
0x196: {  	s1 =	rddreg [dreg:$0x1];
	p0 =	sne.s32 s2, $0x0  }
0x197: {  	s3 =	rddreg [dreg:$0x2];
	[bflag:$0x3] =	sbarrier.arrive $0xFFFF;
	s2 =	simm.s32 @!p0 $0x1C13  }
0x198: {  	[timem:s3], [sflag:s2] =	dma.local @!p0 [hbm:s0], s1  }
0x199: {  	s0 =	simm.s32 @!p0 $0x13  }
0x19a: {  	_ =	swait.ge @!p0 [sflag:s0], s1  }
0x19b: {  	s1 =	ssub.s32 @!p0 $0x0, s1;
	[sflag:s0] =	ssyncset.done @!p0 $0x0  }
0x19c: {  	[sflag:s0] =	ssyncadd.s32 @!p0 s1  }
0x19d: {  	[bflag:$0x3] =	sbarrier.arrive $0xFFFF  }
0x19e: {  	_ =	shalt  }

</sc_bundles>
